<compile_context>
chip_gen: v7x
topology: tpu7x:2x2x1
jax: 0.10.2.dev20260603
libtpu: 0.0.44.dev20260713+nightly
codegen_flags: <defaults>
</compile_context>

<pallas_src>
import functools

import jax
import jax.numpy as jnp
from jax import lax
from jax.experimental import pallas as pl
from jax.experimental.pallas import tpu as pltpu
from jax.experimental.pallas import tpu_sc as plsc

N = 10000
E = 320000
R = 500
D = 128

NC = 2
NS = 16
NW = NC * NS

CHUNK = 80
TOT_CHUNKS = E // CHUNK

NP = 10240
RPT = NP // NS

BN = 2000


def _pre_body(kg_ref, wn_ref, b_ref, wm_ref, rel_ref, x_ref, y_ref, rm_ref):
    wm = wm_ref[...].astype(jnp.bfloat16)
    x = jnp.dot(kg_ref[...].astype(jnp.bfloat16),
                wn_ref[...].astype(jnp.bfloat16),
                preferred_element_type=jnp.float32)
    x = x + b_ref[...]
    x_ref[...] = x
    y_ref[...] = jnp.dot(x.astype(jnp.bfloat16), wm,
                         preferred_element_type=jnp.float32)

    @pl.when(pl.program_id(0) == 0)
    def _():
        rm_ref[...] = jnp.dot(rel_ref[...].astype(jnp.bfloat16), wm,
                              preferred_element_type=jnp.float32)


def _pre(kg, W_name, b2d, W_msg, rel_emb):
    return pl.pallas_call(
        _pre_body,
        grid=(N // BN,),
        in_specs=[
            pl.BlockSpec((BN, kg.shape[1]), lambda i: (i, 0)),
            pl.BlockSpec(W_name.shape, lambda i: (0, 0)),
            pl.BlockSpec(b2d.shape, lambda i: (0, 0)),
            pl.BlockSpec(W_msg.shape, lambda i: (0, 0)),
            pl.BlockSpec(rel_emb.shape, lambda i: (0, 0)),
        ],
        out_specs=[
            pl.BlockSpec((BN, D), lambda i: (i, 0)),
            pl.BlockSpec((BN, D), lambda i: (i, 0)),
            pl.BlockSpec((R, D), lambda i: (0, 0)),
        ],
        out_shape=[
            jax.ShapeDtypeStruct((N, D), jnp.float32),
            jax.ShapeDtypeStruct((N, D), jnp.float32),
            jax.ShapeDtypeStruct((R, D), jnp.float32),
        ],
    )(kg, W_name, b2d, W_msg, rel_emb)


G = 16
TOT_GROUPS = TOT_CHUNKS // G
FULL_W = TOT_GROUPS - 7 * NW // 8 * 8
GROUPS_LO = TOT_GROUPS // NW



def _sc_agg(y, rel_msg, ei3, et2, z2, z1):
    mesh = plsc.VectorSubcoreMesh(core_axis_name="c", subcore_axis_name="s")

    @functools.partial(
        pl.kernel,
        out_type=(
            jax.ShapeDtypeStruct((NC, NP, D), jnp.float32),
            jax.ShapeDtypeStruct((NC, NP), jnp.float32),
        ),
        mesh=mesh,
        scratch_types=[
            pltpu.VMEM_SHARED((NP, D), jnp.float32),
            pltpu.VMEM_SHARED((NP,), jnp.float32),
            pltpu.VMEM((G, CHUNK), jnp.int32),
            pltpu.VMEM((G, CHUNK), jnp.int32),
            pltpu.VMEM((G, CHUNK), jnp.int32),
            pltpu.VMEM((CHUNK, D), jnp.float32),
            pltpu.VMEM((CHUNK, D), jnp.float32),
            pltpu.VMEM((CHUNK, D), jnp.float32),
            pltpu.VMEM((CHUNK, D), jnp.float32),
            pltpu.VMEM((CHUNK,), jnp.float32),
            pltpu.SemaphoreType.DMA,
            pltpu.SemaphoreType.DMA,
            pltpu.SemaphoreType.DMA,
            pltpu.SemaphoreType.DMA,
            pltpu.SemaphoreType.DMA,
        ],
    )
    def body(y_hbm, rm_hbm, ei_hbm, et_hbm, z2_hbm, z1_hbm,
             agg_hbm, deg_hbm,
             agg_sp, deg_sp, ia_v, ib_v, db_v, ybuf0, rbuf0, ybuf1, rbuf1,
             ones_v, sg0, sg1, ss0, ss1, sd):
        c = lax.axis_index("c")
        s = lax.axis_index("s")
        w = c * NS + s

        row0 = s * RPT
        pltpu.sync_copy(z2_hbm, agg_sp.at[pl.ds(row0, RPT)])
        pltpu.sync_copy(z1_hbm, deg_sp.at[pl.ds(row0, RPT)])

        @pl.loop(0, CHUNK, step=16)
        def _(j):
            ones_v[pl.ds(j, 16)] = jnp.ones((16,), jnp.float32)

        ngroups_w = jnp.where(w < FULL_W, GROUPS_LO + 1, GROUPS_LO)
        pairs = ((ybuf0, rbuf0, sg0, ss0), (ybuf1, rbuf1, sg1, ss1))

        def issue_gathers(j, p):
            yb, rb, sg, _ = pairs[p]
            pltpu.async_copy(y_hbm.at[ia_v.at[j]], yb, sg)
            pltpu.async_copy(rm_hbm.at[ib_v.at[j]], rb, sg)

        def wait_gathers(j, p):
            yb, rb, sg, _ = pairs[p]
            pltpu.make_async_copy(y_hbm.at[ia_v.at[j]], yb, sg).wait()
            pltpu.make_async_copy(rm_hbm.at[ib_v.at[j]], rb, sg).wait()

        def issue_scatters(j, p):
            yb, rb, _, ss = pairs[p]
            pltpu.async_copy(yb, agg_sp.at[db_v.at[j]], ss, add=True)
            pltpu.async_copy(rb, agg_sp.at[db_v.at[j]], ss, add=True)
            pltpu.async_copy(ones_v, deg_sp.at[db_v.at[j]], sd, add=True)

        def wait_scatters(j, p):
            yb, rb, _, ss = pairs[p]
            pltpu.make_async_copy(yb, agg_sp.at[db_v.at[j]], ss).wait()
            pltpu.make_async_copy(rb, agg_sp.at[db_v.at[j]], ss).wait()
            pltpu.make_async_copy(ones_v, deg_sp.at[db_v.at[j]], sd).wait()

        @pl.loop(0, ngroups_w)
        def _(grp):
            base = (w + NW * grp) * G
            pltpu.sync_copy(ei_hbm.at[0, pl.ds(base, G)], ia_v)
            pltpu.sync_copy(et_hbm.at[pl.ds(base, G)], ib_v)
            pltpu.sync_copy(ei_hbm.at[1, pl.ds(base, G)], db_v)

            issue_gathers(0, 0)
            wait_gathers(0, 0)
            issue_scatters(0, 0)
            issue_gathers(1, 1)

            @pl.loop(1, G - 1, step=2)
            def _(k):
                wait_gathers(k, 1)
                issue_scatters(k, 1)
                wait_scatters(k, 0)
                issue_gathers(k + 1, 0)
                wait_gathers(k + 1, 0)
                issue_scatters(k + 1, 0)
                wait_scatters(k + 1, 1)
                issue_gathers(k + 2, 1)

            wait_gathers(G - 1, 1)
            issue_scatters(G - 1, 1)
            wait_scatters(G - 2, 0)
            wait_scatters(G - 1, 1)

        plsc.subcore_barrier()
        pltpu.sync_copy(agg_sp.at[pl.ds(row0, RPT)],
                        agg_hbm.at[c, pl.ds(row0, RPT)])
        pltpu.sync_copy(deg_sp.at[pl.ds(row0, RPT)],
                        deg_hbm.at[c, pl.ds(row0, RPT)])

    return body(y, rel_msg, ei3, et2, z2, z1)


def _mix_body(x_ref, a_ref, d_ref, sw_ref, out_ref):
    alpha = jax.nn.sigmoid(sw_ref[0, 0])
    agg = a_ref[0, :, :] + a_ref[1, :, :]
    deg = d_ref[0, :, :] + d_ref[1, :, :]
    agg = agg / jnp.maximum(deg, 1.0)
    out_ref[...] = alpha * x_ref[...] + (1.0 - alpha) * jnp.maximum(agg, 0.0)


def _mix(x, agg, deg3, sw2d):
    return pl.pallas_call(
        _mix_body,
        grid=(N // BN,),
        in_specs=[
            pl.BlockSpec((BN, D), lambda i: (i, 0)),
            pl.BlockSpec((NC, BN, D), lambda i: (0, i, 0)),
            pl.BlockSpec((NC, BN, 1), lambda i: (0, i, 0)),
            pl.BlockSpec((1, 1), lambda i: (0, 0)),
        ],
        out_specs=pl.BlockSpec((BN, D), lambda i: (i, 0)),
        out_shape=jax.ShapeDtypeStruct((N, D), jnp.float32),
    )(x, agg, deg3, sw2d)


def kernel(kg_name_embed, edge_index, edge_type, W_name, b_name, rel_emb,
           W_msg, skip_w):
    ei3 = edge_index.astype(jnp.int32).reshape(NC, TOT_CHUNKS, CHUNK)
    et2 = edge_type.astype(jnp.int32).reshape(TOT_CHUNKS, CHUNK)

    z2 = jnp.zeros((RPT, D), jnp.float32)
    z1 = jnp.zeros((RPT,), jnp.float32)

    x, y, rel_msg = _pre(kg_name_embed, W_name, b_name.reshape(1, D), W_msg,
                         rel_emb)
    agg, deg = _sc_agg(y, rel_msg, ei3, et2, z2, z1)
    out = _mix(x, agg, deg.reshape(NC, NP, 1), skip_w.reshape(1, 1))
    return out

# --- scband reference (transcript-rebuilt; emitter-appended) ---
"""Pipeline reference for scband-align-htrans-62904091018243 (READ-ONLY COPY).

The authoritative reference and input builder live on the scoring server;
editing this copy changes nothing except your own understanding.
"""

import jax, jax.numpy as jnp
import numpy as np

N = 10000
E = 320000
R = 500
D_NAME = 300
E_DIM = 128


def setup_inputs(seed: int = 0) -> dict:
    key = jax.random.key(seed)
    ks = jax.random.split(key, 8)
    kg_name_embed = jax.random.normal(ks[0], (N, D_NAME), dtype=jnp.float32)
    edge_index = jax.random.randint(ks[1], (2, E), 0, N, dtype=jnp.int64)
    edge_type = jax.random.randint(ks[2], (E,), 0, R, dtype=jnp.int64)
    # learned parameters: kg_name_model Linear(300, e_dim) + Htrans layer params
    W_name = jax.random.normal(ks[3], (D_NAME, E_DIM), dtype=jnp.float32) * (1.0 / np.sqrt(D_NAME))
    b_name = jnp.zeros((E_DIM,), dtype=jnp.float32)
    rel_emb = jax.random.normal(ks[4], (R, E_DIM), dtype=jnp.float32) * 0.1
    W_msg = jax.random.normal(ks[5], (E_DIM, E_DIM), dtype=jnp.float32) * (1.0 / np.sqrt(E_DIM))
    skip_w = jnp.asarray(0.0, dtype=jnp.float32)
    return {
        "kg_name_embed": kg_name_embed,
        "edge_index": edge_index,
        "edge_type": edge_type,
        "W_name": W_name,
        "b_name": b_name,
        "rel_emb": rel_emb,
        "W_msg": W_msg,
        "skip_w": skip_w,
    }


def reference(kg_name_embed, edge_index, edge_type, W_name, b_name, rel_emb, W_msg, skip_w):
    # end_embed_in = self.kg_name_model(self.kg_name_embed)
    x = kg_name_embed @ W_name + b_name  # [N, e_dim]
    # Multi_Htrans_Layer: relation-aware message passing over ent_neigh_dict
    src = edge_index[0]
    dst = edge_index[1]
    # gather neighbor entity embeds + relation embeds, transform
    msg = (jnp.take(x, src, axis=0) + jnp.take(rel_emb, edge_type, axis=0)) @ W_msg  # [E, e_dim]
    # scatter-add aggregation to destination entities (mean over neighbors)
    agg = jax.ops.segment_sum(msg, dst, num_segments=N)  # [N, e_dim]
    deg = jax.ops.segment_sum(jnp.ones((E,), dtype=jnp.float32), dst, num_segments=N)
    agg = agg / jnp.maximum(deg, 1.0)[:, None]
    # learned skip/highway mixing (skip_w reported by the original forward)
    alpha = jax.nn.sigmoid(skip_w)
    rel_embed = alpha * x + (1.0 - alpha) * jax.nn.relu(agg)
    return rel_embed

if __name__ == "__main__":
    import jax
    _d = setup_inputs()
    print(jax.jit(kernel)(*tuple(_d.values())))

</pallas_src>

<mosaic_0001>
#map = affine_map<(d0, d1) -> (0, 0)>
#map1 = affine_map<(d0, d1) -> (0, 0, 0)>
#map2 = affine_map<(d0, d1) -> (0)>
module attributes {stable_mosaic.version = 14 : i64} {
  func.func @body(%arg0: i32, %arg1: i32, %arg2: memref<10000x128xf32, #tpu.memory_space<hbm>>, %arg3: memref<500x128xf32, #tpu.memory_space<hbm>>, %arg4: memref<2x4000x80xi32, #tpu.memory_space<hbm>>, %arg5: memref<4000x80xi32, #tpu.memory_space<hbm>>, %arg6: memref<640x128xf32, #tpu.memory_space<hbm>>, %arg7: memref<640xf32, #tpu.memory_space<hbm>>, %arg8: memref<2x10240x128xf32, #tpu.memory_space<hbm>>, %arg9: memref<2x10240xf32, #tpu.memory_space<hbm>>, %arg10: memref<10240x128xf32, #tpu.memory_space<vmem_shared>>, %arg11: memref<10240xf32, #tpu.memory_space<vmem_shared>>, %arg12: memref<16x80xi32, #tpu.memory_space<vmem>>, %arg13: memref<16x80xi32, #tpu.memory_space<vmem>>, %arg14: memref<16x80xi32, #tpu.memory_space<vmem>>, %arg15: memref<80x128xf32, #tpu.memory_space<vmem>>, %arg16: memref<80x128xf32, #tpu.memory_space<vmem>>, %arg17: memref<80x128xf32, #tpu.memory_space<vmem>>, %arg18: memref<80x128xf32, #tpu.memory_space<vmem>>, %arg19: memref<80xf32, #tpu.memory_space<vmem>>, %arg20: memref<!tpu.dma_semaphore, #tpu.memory_space<semaphore_mem>>, %arg21: memref<!tpu.dma_semaphore, #tpu.memory_space<semaphore_mem>>, %arg22: memref<!tpu.dma_semaphore, #tpu.memory_space<semaphore_mem>>, %arg23: memref<!tpu.dma_semaphore, #tpu.memory_space<semaphore_mem>>, %arg24: memref<!tpu.dma_semaphore, #tpu.memory_space<semaphore_mem>>) attributes {dimension_semantics = [#tpu.dimension_semantics<core_parallel>, #tpu.dimension_semantics<subcore_parallel>], iteration_bounds = array<i64: 2, 16>, scalar_prefetch = 0 : i64, scratch_operands = 15 : i64, tpu.core_type = #tpu.core_type<sc_vector_subcore>, window_params = [{transform_indices = #map}, {transform_indices = #map}, {transform_indices = #map1}, {transform_indices = #map}, {transform_indices = #map}, {transform_indices = #map2}, {transform_indices = #map1}, {transform_indices = #map}]} {
    %mul3A = arith.constant 16 : i32
    %mul3A_0 = arith.muli %arg0, %mul3A : i32
    %add3A = arith.addi %mul3A_0, %arg1 : i32
    %mul3A_1 = arith.constant 640 : i32
    %mul3A_2 = arith.muli %arg1, %mul3A_1 : i32
    "tpu.region"() ({
      %run_scoped3A = tpu.sem_alloc : memref<!tpu.dma_semaphore, #tpu.memory_space<semaphore_mem>>
      %dma_start3A = arith.constant 0 : i32
      %dma_start3A_25 = tpu.memref_slice %arg10[%mul3A_2, %dma_start3A] : memref<10240x128xf32, #tpu.memory_space<vmem_shared>> -> memref<640x128xf32, #tpu.memory_space<vmem_shared>>
      tpu.enqueue_dma source(%arg6 : memref<640x128xf32, #tpu.memory_space<hbm>>) target(%dma_start3A_25 : memref<640x128xf32, #tpu.memory_space<vmem_shared>>) target_semaphore(%run_scoped3A : memref<!tpu.dma_semaphore, #tpu.memory_space<semaphore_mem>>)
      %dma_wait3A = arith.constant 0 : i32
      %dma_wait3A_26 = tpu.memref_slice %arg10[%mul3A_2, %dma_wait3A] : memref<10240x128xf32, #tpu.memory_space<vmem_shared>> -> memref<640x128xf32, #tpu.memory_space<vmem_shared>>
      tpu.wait_dma2 semaphore(%run_scoped3A : memref<!tpu.dma_semaphore, #tpu.memory_space<semaphore_mem>>) src(%arg6 : memref<640x128xf32, #tpu.memory_space<hbm>>) dst(%dma_wait3A_26 : memref<640x128xf32, #tpu.memory_space<vmem_shared>>)
      tpu.yield
    }) : () -> ()
    "tpu.region"() ({
      %run_scoped3A = tpu.sem_alloc : memref<!tpu.dma_semaphore, #tpu.memory_space<semaphore_mem>>
      %dma_start3A = tpu.memref_slice %arg11[%mul3A_2] : memref<10240xf32, #tpu.memory_space<vmem_shared>> -> memref<640xf32, #tpu.memory_space<vmem_shared>>
      tpu.enqueue_dma source(%arg7 : memref<640xf32, #tpu.memory_space<hbm>>) target(%dma_start3A : memref<640xf32, #tpu.memory_space<vmem_shared>>) target_semaphore(%run_scoped3A : memref<!tpu.dma_semaphore, #tpu.memory_space<semaphore_mem>>)
      %dma_wait3A = tpu.memref_slice %arg11[%mul3A_2] : memref<10240xf32, #tpu.memory_space<vmem_shared>> -> memref<640xf32, #tpu.memory_space<vmem_shared>>
      tpu.wait_dma2 semaphore(%run_scoped3A : memref<!tpu.dma_semaphore, #tpu.memory_space<semaphore_mem>>) src(%arg7 : memref<640xf32, #tpu.memory_space<hbm>>) dst(%dma_wait3A : memref<640xf32, #tpu.memory_space<vmem_shared>>)
      tpu.yield
    }) : () -> ()
    %scan3A = arith.constant 0 : i32
    %scan3A_3 = arith.constant 5 : i32
    %scan3A_4 = arith.addi %scan3A, %scan3A_3 : i32
    %scan3A_5 = arith.constant 1 : i32
    scf.for %scan3A_25 = %scan3A to %scan3A_4 step %scan3A_5  : i32 {
      %mul3A_26 = arith.constant 16 : i32
      %mul3A_27 = arith.muli %scan3A_25, %mul3A_26 : i32
      %add3A_28 = arith.constant 0 : i32
      %add3A_29 = arith.addi %add3A_28, %mul3A_27 : i32
      %broadcast_in_dim3A = arith.constant 1.000000e+00 : f32
      %broadcast_in_dim3A_30 = vector.broadcast %broadcast_in_dim3A : f32 to vector<16xf32>
      %swap3A = arith.index_cast %add3A_29 : i32 to index
      %swap3A_31 = tpu.vector_load %arg19[%swap3A] {strides = array<i32>} : memref<80xf32, #tpu.memory_space<vmem>>, vector<16xf32>,
      %swap3A_32 = vector.shape_cast %swap3A_31 : vector<16xf32> to vector<16xf32>
      %swap3A_33 = vector.shape_cast %broadcast_in_dim3A_30 : vector<16xf32> to vector<16xf32>
      tpu.vector_store %arg19[%swap3A], %swap3A_33 {strides = array<i32>} : memref<80xf32, #tpu.memory_space<vmem>>, vector<16xf32>,
    }
    %scan3A_6 = arith.constant 5 : i32
    %lt3A = arith.constant 26 : i32
    %lt3A_7 = arith.cmpi slt, %add3A, %lt3A : i32
    %jit3A = arith.constant 8 : i32
    %jit3A_8 = arith.constant 7 : i32
    %select_n3A = arith.select %lt3A_7, %jit3A, %jit3A_8 : i32
    %sub3A = arith.constant 0 : i32
    %sub3A_9 = arith.subi %select_n3A, %sub3A : i32
    %sub3A_10 = arith.constant 1 : i32
    %sub3A_11 = arith.constant 1 : i32
    %sub3A_12 = arith.subi %sub3A_10, %sub3A_11 : i32
    %add3A_13 = arith.addi %sub3A_9, %sub3A_12 : i32
    %div3A = arith.constant 1 : i32
    %div3A_14 = arith.divsi %add3A_13, %div3A : i32
    %while3A = arith.constant 1 : i32
    %while3A_15 = arith.constant 0 : i32
    %while3A_16 = arith.constant 0 : i32
    %while3A_17 = arith.subi %div3A_14, %while3A_16 : i32
    %while3A_18 = arith.addi %while3A_16, %while3A_17 : i32
    %while3A_19 = arith.constant 1 : i32
    %while3A_20 = arith.divsi %while3A_17, %while3A_19 : i32
    %while3A_21 = arith.muli %while3A_20, %while3A_19 : i32
    %while3A_22 = arith.addi %while3A_16, %while3A_21 : i32
    %while3A_23 = arith.constant 1 : i32
    scf.for %while3A_25 = %while3A_16 to %while3A_22 step %while3A_23  : i32 {
      %mul3A_26 = arith.muli %while3A_25, %while3A : i32
      %add3A_27 = arith.addi %while3A_15, %mul3A_26 : i32
      %mul3A_28 = arith.constant 32 : i32
      %mul3A_29 = arith.muli %mul3A_28, %add3A_27 : i32
      %add3A_30 = arith.addi %add3A, %mul3A_29 : i32
      %mul3A_31 = arith.constant 16 : i32
      %mul3A_32 = arith.muli %add3A_30, %mul3A_31 : i32
      %run_scoped3A = arith.constant 0 : i32
      "tpu.region"() ({
        %run_scoped3A_173 = tpu.sem_alloc : memref<!tpu.dma_semaphore, #tpu.memory_space<semaphore_mem>>
        %dma_start3A_174 = arith.constant 0 : i32
        %dma_start3A_175 = tpu.memref_slice %arg4[%run_scoped3A, %mul3A_32, %dma_start3A_174] : memref<2x4000x80xi32, #tpu.memory_space<hbm>> -> memref<1x16x80xi32, #tpu.memory_space<hbm>>
        %dma_start3A_176 = tpu.memref_squeeze %dma_start3A_175 : memref<1x16x80xi32, #tpu.memory_space<hbm>> -> memref<16x80xi32, #tpu.memory_space<hbm>>
        %dma_start3A_177 = arith.constant 0 : i32
        %dma_start3A_178 = tpu.memref_slice %arg4[%run_scoped3A, %mul3A_32, %dma_start3A_177] : memref<2x4000x80xi32, #tpu.memory_space<hbm>> -> memref<1x16x80xi32, #tpu.memory_space<hbm>>
        %dma_start3A_179 = tpu.memref_squeeze %dma_start3A_178 : memref<1x16x80xi32, #tpu.memory_space<hbm>> -> memref<16x80xi32, #tpu.memory_space<hbm>>
        tpu.enqueue_dma source(%dma_start3A_179 : memref<16x80xi32, #tpu.memory_space<hbm>>) target(%arg12 : memref<16x80xi32, #tpu.memory_space<vmem>>) target_semaphore(%run_scoped3A_173 : memref<!tpu.dma_semaphore, #tpu.memory_space<semaphore_mem>>)
        %dma_wait3A_180 = arith.constant 0 : i32
        %dma_wait3A_181 = tpu.memref_slice %arg4[%run_scoped3A, %mul3A_32, %dma_wait3A_180] : memref<2x4000x80xi32, #tpu.memory_space<hbm>> -> memref<1x16x80xi32, #tpu.memory_space<hbm>>
        %dma_wait3A_182 = tpu.memref_squeeze %dma_wait3A_181 : memref<1x16x80xi32, #tpu.memory_space<hbm>> -> memref<16x80xi32, #tpu.memory_space<hbm>>
        %dma_wait3A_183 = arith.constant 0 : i32
        %dma_wait3A_184 = tpu.memref_slice %arg4[%run_scoped3A, %mul3A_32, %dma_wait3A_183] : memref<2x4000x80xi32, #tpu.memory_space<hbm>> -> memref<1x16x80xi32, #tpu.memory_space<hbm>>
        %dma_wait3A_185 = tpu.memref_squeeze %dma_wait3A_184 : memref<1x16x80xi32, #tpu.memory_space<hbm>> -> memref<16x80xi32, #tpu.memory_space<hbm>>
        tpu.wait_dma2 semaphore(%run_scoped3A_173 : memref<!tpu.dma_semaphore, #tpu.memory_space<semaphore_mem>>) src(%dma_wait3A_185 : memref<16x80xi32, #tpu.memory_space<hbm>>) dst(%arg12 : memref<16x80xi32, #tpu.memory_space<vmem>>)
        tpu.yield
      }) : () -> ()
      "tpu.region"() ({
        %run_scoped3A_173 = tpu.sem_alloc : memref<!tpu.dma_semaphore, #tpu.memory_space<semaphore_mem>>
        %dma_start3A_174 = arith.constant 0 : i32
        %dma_start3A_175 = tpu.memref_slice %arg5[%mul3A_32, %dma_start3A_174] : memref<4000x80xi32, #tpu.memory_space<hbm>> -> memref<16x80xi32, #tpu.memory_space<hbm>>
        %dma_start3A_176 = arith.constant 0 : i32
        %dma_start3A_177 = tpu.memref_slice %arg5[%mul3A_32, %dma_start3A_176] : memref<4000x80xi32, #tpu.memory_space<hbm>> -> memref<16x80xi32, #tpu.memory_space<hbm>>
        tpu.enqueue_dma source(%dma_start3A_177 : memref<16x80xi32, #tpu.memory_space<hbm>>) target(%arg13 : memref<16x80xi32, #tpu.memory_space<vmem>>) target_semaphore(%run_scoped3A_173 : memref<!tpu.dma_semaphore, #tpu.memory_space<semaphore_mem>>)
        %dma_wait3A_178 = arith.constant 0 : i32
        %dma_wait3A_179 = tpu.memref_slice %arg5[%mul3A_32, %dma_wait3A_178] : memref<4000x80xi32, #tpu.memory_space<hbm>> -> memref<16x80xi32, #tpu.memory_space<hbm>>
        %dma_wait3A_180 = arith.constant 0 : i32
        %dma_wait3A_181 = tpu.memref_slice %arg5[%mul3A_32, %dma_wait3A_180] : memref<4000x80xi32, #tpu.memory_space<hbm>> -> memref<16x80xi32, #tpu.memory_space<hbm>>
        tpu.wait_dma2 semaphore(%run_scoped3A_173 : memref<!tpu.dma_semaphore, #tpu.memory_space<semaphore_mem>>) src(%dma_wait3A_181 : memref<16x80xi32, #tpu.memory_space<hbm>>) dst(%arg13 : memref<16x80xi32, #tpu.memory_space<vmem>>)
        tpu.yield
      }) : () -> ()
      %run_scoped3A_33 = arith.constant 1 : i32
      "tpu.region"() ({
        %run_scoped3A_173 = tpu.sem_alloc : memref<!tpu.dma_semaphore, #tpu.memory_space<semaphore_mem>>
        %dma_start3A_174 = arith.constant 0 : i32
        %dma_start3A_175 = tpu.memref_slice %arg4[%run_scoped3A_33, %mul3A_32, %dma_start3A_174] : memref<2x4000x80xi32, #tpu.memory_space<hbm>> -> memref<1x16x80xi32, #tpu.memory_space<hbm>>
        %dma_start3A_176 = tpu.memref_squeeze %dma_start3A_175 : memref<1x16x80xi32, #tpu.memory_space<hbm>> -> memref<16x80xi32, #tpu.memory_space<hbm>>
        %dma_start3A_177 = arith.constant 0 : i32
        %dma_start3A_178 = tpu.memref_slice %arg4[%run_scoped3A_33, %mul3A_32, %dma_start3A_177] : memref<2x4000x80xi32, #tpu.memory_space<hbm>> -> memref<1x16x80xi32, #tpu.memory_space<hbm>>
        %dma_start3A_179 = tpu.memref_squeeze %dma_start3A_178 : memref<1x16x80xi32, #tpu.memory_space<hbm>> -> memref<16x80xi32, #tpu.memory_space<hbm>>
        tpu.enqueue_dma source(%dma_start3A_179 : memref<16x80xi32, #tpu.memory_space<hbm>>) target(%arg14 : memref<16x80xi32, #tpu.memory_space<vmem>>) target_semaphore(%run_scoped3A_173 : memref<!tpu.dma_semaphore, #tpu.memory_space<semaphore_mem>>)
        %dma_wait3A_180 = arith.constant 0 : i32
        %dma_wait3A_181 = tpu.memref_slice %arg4[%run_scoped3A_33, %mul3A_32, %dma_wait3A_180] : memref<2x4000x80xi32, #tpu.memory_space<hbm>> -> memref<1x16x80xi32, #tpu.memory_space<hbm>>
        %dma_wait3A_182 = tpu.memref_squeeze %dma_wait3A_181 : memref<1x16x80xi32, #tpu.memory_space<hbm>> -> memref<16x80xi32, #tpu.memory_space<hbm>>
        %dma_wait3A_183 = arith.constant 0 : i32
        %dma_wait3A_184 = tpu.memref_slice %arg4[%run_scoped3A_33, %mul3A_32, %dma_wait3A_183] : memref<2x4000x80xi32, #tpu.memory_space<hbm>> -> memref<1x16x80xi32, #tpu.memory_space<hbm>>
        %dma_wait3A_185 = tpu.memref_squeeze %dma_wait3A_184 : memref<1x16x80xi32, #tpu.memory_space<hbm>> -> memref<16x80xi32, #tpu.memory_space<hbm>>
        tpu.wait_dma2 semaphore(%run_scoped3A_173 : memref<!tpu.dma_semaphore, #tpu.memory_space<semaphore_mem>>) src(%dma_wait3A_185 : memref<16x80xi32, #tpu.memory_space<hbm>>) dst(%arg14 : memref<16x80xi32, #tpu.memory_space<vmem>>)
        tpu.yield
      }) : () -> ()
      %dma_start3A = arith.constant 0 : i32
      %dma_start3A_34 = arith.constant 0 : i32
      %dma_start3A_35 = tpu.memref_slice %arg12[%dma_start3A, %dma_start3A_34] : memref<16x80xi32, #tpu.memory_space<vmem>> -> memref<1x80xi32, #tpu.memory_space<vmem>>
      %dma_start3A_36 = tpu.memref_squeeze %dma_start3A_35 : memref<1x80xi32, #tpu.memory_space<vmem>> -> memref<80xi32, #tpu.memory_space<vmem>>
      %dma_start3A_37 = arith.constant 0 : i32
      %dma_start3A_38 = arith.constant 0 : i32
      %dma_start3A_39 = tpu.memref_slice %arg2[%dma_start3A_37, %dma_start3A_38] : memref<10000x128xf32, #tpu.memory_space<hbm>> -> memref<10000x128xf32, #tpu.memory_space<hbm>>
      tpu.enqueue_indirect_dma source(%dma_start3A_39 : memref<10000x128xf32, #tpu.memory_space<hbm>>) target(%arg15 : memref<80x128xf32, #tpu.memory_space<vmem>>) offsets(%dma_start3A_36 : memref<80xi32, #tpu.memory_space<vmem>>) semaphore(%arg20 : memref<!tpu.dma_semaphore, #tpu.memory_space<semaphore_mem>>)
      %dma_start3A_40 = arith.constant 0 : i32
      %dma_start3A_41 = arith.constant 0 : i32
      %dma_start3A_42 = tpu.memref_slice %arg13[%dma_start3A_40, %dma_start3A_41] : memref<16x80xi32, #tpu.memory_space<vmem>> -> memref<1x80xi32, #tpu.memory_space<vmem>>
      %dma_start3A_43 = tpu.memref_squeeze %dma_start3A_42 : memref<1x80xi32, #tpu.memory_space<vmem>> -> memref<80xi32, #tpu.memory_space<vmem>>
      %dma_start3A_44 = arith.constant 0 : i32
      %dma_start3A_45 = arith.constant 0 : i32
      %dma_start3A_46 = tpu.memref_slice %arg3[%dma_start3A_44, %dma_start3A_45] : memref<500x128xf32, #tpu.memory_space<hbm>> -> memref<500x128xf32, #tpu.memory_space<hbm>>
      tpu.enqueue_indirect_dma source(%dma_start3A_46 : memref<500x128xf32, #tpu.memory_space<hbm>>) target(%arg16 : memref<80x128xf32, #tpu.memory_space<vmem>>) offsets(%dma_start3A_43 : memref<80xi32, #tpu.memory_space<vmem>>) semaphore(%arg20 : memref<!tpu.dma_semaphore, #tpu.memory_space<semaphore_mem>>)
      %dma_wait3A = arith.constant 0 : i32
      %dma_wait3A_47 = arith.constant 0 : i32
      %dma_wait3A_48 = tpu.memref_slice %arg12[%dma_wait3A, %dma_wait3A_47] : memref<16x80xi32, #tpu.memory_space<vmem>> -> memref<1x80xi32, #tpu.memory_space<vmem>>
      %dma_wait3A_49 = tpu.memref_squeeze %dma_wait3A_48 : memref<1x80xi32, #tpu.memory_space<vmem>> -> memref<80xi32, #tpu.memory_space<vmem>>
      %dma_wait3A_50 = arith.constant 0 : i32
      %dma_wait3A_51 = arith.constant 0 : i32
      %dma_wait3A_52 = tpu.memref_slice %arg2[%dma_wait3A_50, %dma_wait3A_51] : memref<10000x128xf32, #tpu.memory_space<hbm>> -> memref<10000x128xf32, #tpu.memory_space<hbm>>
      tpu.wait_indirect_dma semaphore(%arg20 : memref<!tpu.dma_semaphore, #tpu.memory_space<semaphore_mem>>) src(%dma_wait3A_52 : memref<10000x128xf32, #tpu.memory_space<hbm>>) dst(%arg15 : memref<80x128xf32, #tpu.memory_space<vmem>>)
      %dma_wait3A_53 = arith.constant 0 : i32
      %dma_wait3A_54 = arith.constant 0 : i32
      %dma_wait3A_55 = tpu.memref_slice %arg13[%dma_wait3A_53, %dma_wait3A_54] : memref<16x80xi32, #tpu.memory_space<vmem>> -> memref<1x80xi32, #tpu.memory_space<vmem>>
      %dma_wait3A_56 = tpu.memref_squeeze %dma_wait3A_55 : memref<1x80xi32, #tpu.memory_space<vmem>> -> memref<80xi32, #tpu.memory_space<vmem>>
      %dma_wait3A_57 = arith.constant 0 : i32
      %dma_wait3A_58 = arith.constant 0 : i32
      %dma_wait3A_59 = tpu.memref_slice %arg3[%dma_wait3A_57, %dma_wait3A_58] : memref<500x128xf32, #tpu.memory_space<hbm>> -> memref<500x128xf32, #tpu.memory_space<hbm>>
      tpu.wait_indirect_dma semaphore(%arg20 : memref<!tpu.dma_semaphore, #tpu.memory_space<semaphore_mem>>) src(%dma_wait3A_59 : memref<500x128xf32, #tpu.memory_space<hbm>>) dst(%arg16 : memref<80x128xf32, #tpu.memory_space<vmem>>)
      %dma_start3A_60 = arith.constant 0 : i32
      %dma_start3A_61 = arith.constant 0 : i32
      %dma_start3A_62 = tpu.memref_slice %arg14[%dma_start3A_60, %dma_start3A_61] : memref<16x80xi32, #tpu.memory_space<vmem>> -> memref<1x80xi32, #tpu.memory_space<vmem>>
      %dma_start3A_63 = tpu.memref_squeeze %dma_start3A_62 : memref<1x80xi32, #tpu.memory_space<vmem>> -> memref<80xi32, #tpu.memory_space<vmem>>
      %dma_start3A_64 = arith.constant 0 : i32
      %dma_start3A_65 = arith.constant 0 : i32
      %dma_start3A_66 = tpu.memref_slice %arg10[%dma_start3A_64, %dma_start3A_65] : memref<10240x128xf32, #tpu.memory_space<vmem_shared>> -> memref<10240x128xf32, #tpu.memory_space<vmem_shared>>
      tpu.enqueue_indirect_dma source(%arg15 : memref<80x128xf32, #tpu.memory_space<vmem>>) target(%dma_start3A_66 : memref<10240x128xf32, #tpu.memory_space<vmem_shared>>) offsets(%dma_start3A_63 : memref<80xi32, #tpu.memory_space<vmem>>) semaphore(%arg22 : memref<!tpu.dma_semaphore, #tpu.memory_space<semaphore_mem>>) {add = true}
      %dma_start3A_67 = arith.constant 0 : i32
      %dma_start3A_68 = arith.constant 0 : i32
      %dma_start3A_69 = tpu.memref_slice %arg14[%dma_start3A_67, %dma_start3A_68] : memref<16x80xi32, #tpu.memory_space<vmem>> -> memref<1x80xi32, #tpu.memory_space<vmem>>
      %dma_start3A_70 = tpu.memref_squeeze %dma_start3A_69 : memref<1x80xi32, #tpu.memory_space<vmem>> -> memref<80xi32, #tpu.memory_space<vmem>>
      %dma_start3A_71 = arith.constant 0 : i32
      %dma_start3A_72 = arith.constant 0 : i32
      %dma_start3A_73 = tpu.memref_slice %arg10[%dma_start3A_71, %dma_start3A_72] : memref<10240x128xf32, #tpu.memory_space<vmem_shared>> -> memref<10240x128xf32, #tpu.memory_space<vmem_shared>>
      tpu.enqueue_indirect_dma source(%arg16 : memref<80x128xf32, #tpu.memory_space<vmem>>) target(%dma_start3A_73 : memref<10240x128xf32, #tpu.memory_space<vmem_shared>>) offsets(%dma_start3A_70 : memref<80xi32, #tpu.memory_space<vmem>>) semaphore(%arg22 : memref<!tpu.dma_semaphore, #tpu.memory_space<semaphore_mem>>) {add = true}
      %dma_start3A_74 = arith.constant 0 : i32
      %dma_start3A_75 = arith.constant 0 : i32
      %dma_start3A_76 = tpu.memref_slice %arg14[%dma_start3A_74, %dma_start3A_75] : memref<16x80xi32, #tpu.memory_space<vmem>> -> memref<1x80xi32, #tpu.memory_space<vmem>>
      %dma_start3A_77 = tpu.memref_squeeze %dma_start3A_76 : memref<1x80xi32, #tpu.memory_space<vmem>> -> memref<80xi32, #tpu.memory_space<vmem>>
      %dma_start3A_78 = arith.constant 0 : i32
      %dma_start3A_79 = tpu.memref_slice %arg11[%dma_start3A_78] : memref<10240xf32, #tpu.memory_space<vmem_shared>> -> memref<10240xf32, #tpu.memory_space<vmem_shared>>
      tpu.enqueue_indirect_dma source(%arg19 : memref<80xf32, #tpu.memory_space<vmem>>) target(%dma_start3A_79 : memref<10240xf32, #tpu.memory_space<vmem_shared>>) offsets(%dma_start3A_77 : memref<80xi32, #tpu.memory_space<vmem>>) semaphore(%arg24 : memref<!tpu.dma_semaphore, #tpu.memory_space<semaphore_mem>>) {add = true}
      %dma_start3A_80 = arith.constant 1 : i32
      %dma_start3A_81 = arith.constant 0 : i32
      %dma_start3A_82 = tpu.memref_slice %arg12[%dma_start3A_80, %dma_start3A_81] : memref<16x80xi32, #tpu.memory_space<vmem>> -> memref<1x80xi32, #tpu.memory_space<vmem>>
      %dma_start3A_83 = tpu.memref_squeeze %dma_start3A_82 : memref<1x80xi32, #tpu.memory_space<vmem>> -> memref<80xi32, #tpu.memory_space<vmem>>
      %dma_start3A_84 = arith.constant 0 : i32
      %dma_start3A_85 = arith.constant 0 : i32
      %dma_start3A_86 = tpu.memref_slice %arg2[%dma_start3A_84, %dma_start3A_85] : memref<10000x128xf32, #tpu.memory_space<hbm>> -> memref<10000x128xf32, #tpu.memory_space<hbm>>
      tpu.enqueue_indirect_dma source(%dma_start3A_86 : memref<10000x128xf32, #tpu.memory_space<hbm>>) target(%arg17 : memref<80x128xf32, #tpu.memory_space<vmem>>) offsets(%dma_start3A_83 : memref<80xi32, #tpu.memory_space<vmem>>) semaphore(%arg21 : memref<!tpu.dma_semaphore, #tpu.memory_space<semaphore_mem>>)
      %dma_start3A_87 = arith.constant 1 : i32
      %dma_start3A_88 = arith.constant 0 : i32
      %dma_start3A_89 = tpu.memref_slice %arg13[%dma_start3A_87, %dma_start3A_88] : memref<16x80xi32, #tpu.memory_space<vmem>> -> memref<1x80xi32, #tpu.memory_space<vmem>>
      %dma_start3A_90 = tpu.memref_squeeze %dma_start3A_89 : memref<1x80xi32, #tpu.memory_space<vmem>> -> memref<80xi32, #tpu.memory_space<vmem>>
      %dma_start3A_91 = arith.constant 0 : i32
      %dma_start3A_92 = arith.constant 0 : i32
      %dma_start3A_93 = tpu.memref_slice %arg3[%dma_start3A_91, %dma_start3A_92] : memref<500x128xf32, #tpu.memory_space<hbm>> -> memref<500x128xf32, #tpu.memory_space<hbm>>
      tpu.enqueue_indirect_dma source(%dma_start3A_93 : memref<500x128xf32, #tpu.memory_space<hbm>>) target(%arg18 : memref<80x128xf32, #tpu.memory_space<vmem>>) offsets(%dma_start3A_90 : memref<80xi32, #tpu.memory_space<vmem>>) semaphore(%arg21 : memref<!tpu.dma_semaphore, #tpu.memory_space<semaphore_mem>>)
      %scan3A_94 = arith.constant 0 : i32
      %scan3A_95 = arith.constant 7 : i32
      %scan3A_96 = arith.addi %scan3A_94, %scan3A_95 : i32
      %scan3A_97 = arith.constant 1 : i32
      scf.for %scan3A_173 = %scan3A_94 to %scan3A_96 step %scan3A_97  : i32 {
        %mul3A_174 = arith.constant 2 : i32
        %mul3A_175 = arith.muli %scan3A_173, %mul3A_174 : i32
        %add3A_176 = arith.constant 1 : i32
        %add3A_177 = arith.addi %add3A_176, %mul3A_175 : i32
        %dma_wait3A_178 = arith.constant 0 : i32
        %dma_wait3A_179 = tpu.memref_slice %arg12[%add3A_177, %dma_wait3A_178] : memref<16x80xi32, #tpu.memory_space<vmem>> -> memref<1x80xi32, #tpu.memory_space<vmem>>
        %dma_wait3A_180 = tpu.memref_squeeze %dma_wait3A_179 : memref<1x80xi32, #tpu.memory_space<vmem>> -> memref<80xi32, #tpu.memory_space<vmem>>
        %dma_wait3A_181 = arith.constant 0 : i32
        %dma_wait3A_182 = arith.constant 0 : i32
        %dma_wait3A_183 = tpu.memref_slice %arg2[%dma_wait3A_181, %dma_wait3A_182] : memref<10000x128xf32, #tpu.memory_space<hbm>> -> memref<10000x128xf32, #tpu.memory_space<hbm>>
        tpu.wait_indirect_dma semaphore(%arg21 : memref<!tpu.dma_semaphore, #tpu.memory_space<semaphore_mem>>) src(%dma_wait3A_183 : memref<10000x128xf32, #tpu.memory_space<hbm>>) dst(%arg17 : memref<80x128xf32, #tpu.memory_space<vmem>>)
        %dma_wait3A_184 = arith.constant 0 : i32
        %dma_wait3A_185 = tpu.memref_slice %arg13[%add3A_177, %dma_wait3A_184] : memref<16x80xi32, #tpu.memory_space<vmem>> -> memref<1x80xi32, #tpu.memory_space<vmem>>
        %dma_wait3A_186 = tpu.memref_squeeze %dma_wait3A_185 : memref<1x80xi32, #tpu.memory_space<vmem>> -> memref<80xi32, #tpu.memory_space<vmem>>
        %dma_wait3A_187 = arith.constant 0 : i32
        %dma_wait3A_188 = arith.constant 0 : i32
        %dma_wait3A_189 = tpu.memref_slice %arg3[%dma_wait3A_187, %dma_wait3A_188] : memref<500x128xf32, #tpu.memory_space<hbm>> -> memref<500x128xf32, #tpu.memory_space<hbm>>
        tpu.wait_indirect_dma semaphore(%arg21 : memref<!tpu.dma_semaphore, #tpu.memory_space<semaphore_mem>>) src(%dma_wait3A_189 : memref<500x128xf32, #tpu.memory_space<hbm>>) dst(%arg18 : memref<80x128xf32, #tpu.memory_space<vmem>>)
        %dma_start3A_190 = arith.constant 0 : i32
        %dma_start3A_191 = tpu.memref_slice %arg14[%add3A_177, %dma_start3A_190] : memref<16x80xi32, #tpu.memory_space<vmem>> -> memref<1x80xi32, #tpu.memory_space<vmem>>
        %dma_start3A_192 = tpu.memref_squeeze %dma_start3A_191 : memref<1x80xi32, #tpu.memory_space<vmem>> -> memref<80xi32, #tpu.memory_space<vmem>>
        %dma_start3A_193 = arith.constant 0 : i32
        %dma_start3A_194 = arith.constant 0 : i32
        %dma_start3A_195 = tpu.memref_slice %arg10[%dma_start3A_193, %dma_start3A_194] : memref<10240x128xf32, #tpu.memory_space<vmem_shared>> -> memref<10240x128xf32, #tpu.memory_space<vmem_shared>>
        tpu.enqueue_indirect_dma source(%arg17 : memref<80x128xf32, #tpu.memory_space<vmem>>) target(%dma_start3A_195 : memref<10240x128xf32, #tpu.memory_space<vmem_shared>>) offsets(%dma_start3A_192 : memref<80xi32, #tpu.memory_space<vmem>>) semaphore(%arg23 : memref<!tpu.dma_semaphore, #tpu.memory_space<semaphore_mem>>) {add = true}
        %dma_start3A_196 = arith.constant 0 : i32
        %dma_start3A_197 = tpu.memref_slice %arg14[%add3A_177, %dma_start3A_196] : memref<16x80xi32, #tpu.memory_space<vmem>> -> memref<1x80xi32, #tpu.memory_space<vmem>>
        %dma_start3A_198 = tpu.memref_squeeze %dma_start3A_197 : memref<1x80xi32, #tpu.memory_space<vmem>> -> memref<80xi32, #tpu.memory_space<vmem>>
        %dma_start3A_199 = arith.constant 0 : i32
        %dma_start3A_200 = arith.constant 0 : i32
        %dma_start3A_201 = tpu.memref_slice %arg10[%dma_start3A_199, %dma_start3A_200] : memref<10240x128xf32, #tpu.memory_space<vmem_shared>> -> memref<10240x128xf32, #tpu.memory_space<vmem_shared>>
        tpu.enqueue_indirect_dma source(%arg18 : memref<80x128xf32, #tpu.memory_space<vmem>>) target(%dma_start3A_201 : memref<10240x128xf32, #tpu.memory_space<vmem_shared>>) offsets(%dma_start3A_198 : memref<80xi32, #tpu.memory_space<vmem>>) semaphore(%arg23 : memref<!tpu.dma_semaphore, #tpu.memory_space<semaphore_mem>>) {add = true}
        %dma_start3A_202 = arith.constant 0 : i32
        %dma_start3A_203 = tpu.memref_slice %arg14[%add3A_177, %dma_start3A_202] : memref<16x80xi32, #tpu.memory_space<vmem>> -> memref<1x80xi32, #tpu.memory_space<vmem>>
        %dma_start3A_204 = tpu.memref_squeeze %dma_start3A_203 : memref<1x80xi32, #tpu.memory_space<vmem>> -> memref<80xi32, #tpu.memory_space<vmem>>
        %dma_start3A_205 = arith.constant 0 : i32
        %dma_start3A_206 = tpu.memref_slice %arg11[%dma_start3A_205] : memref<10240xf32, #tpu.memory_space<vmem_shared>> -> memref<10240xf32, #tpu.memory_space<vmem_shared>>
        tpu.enqueue_indirect_dma source(%arg19 : memref<80xf32, #tpu.memory_space<vmem>>) target(%dma_start3A_206 : memref<10240xf32, #tpu.memory_space<vmem_shared>>) offsets(%dma_start3A_204 : memref<80xi32, #tpu.memory_space<vmem>>) semaphore(%arg24 : memref<!tpu.dma_semaphore, #tpu.memory_space<semaphore_mem>>) {add = true}
        %dma_wait3A_207 = arith.constant 0 : i32
        %dma_wait3A_208 = tpu.memref_slice %arg14[%add3A_177, %dma_wait3A_207] : memref<16x80xi32, #tpu.memory_space<vmem>> -> memref<1x80xi32, #tpu.memory_space<vmem>>
        %dma_wait3A_209 = tpu.memref_squeeze %dma_wait3A_208 : memref<1x80xi32, #tpu.memory_space<vmem>> -> memref<80xi32, #tpu.memory_space<vmem>>
        %dma_wait3A_210 = arith.constant 0 : i32
        %dma_wait3A_211 = arith.constant 0 : i32
        %dma_wait3A_212 = tpu.memref_slice %arg10[%dma_wait3A_210, %dma_wait3A_211] : memref<10240x128xf32, #tpu.memory_space<vmem_shared>> -> memref<10240x128xf32, #tpu.memory_space<vmem_shared>>
        tpu.wait_indirect_dma semaphore(%arg22 : memref<!tpu.dma_semaphore, #tpu.memory_space<semaphore_mem>>) src(%arg15 : memref<80x128xf32, #tpu.memory_space<vmem>>) dst(%dma_wait3A_212 : memref<10240x128xf32, #tpu.memory_space<vmem_shared>>)
        %dma_wait3A_213 = arith.constant 0 : i32
        %dma_wait3A_214 = tpu.memref_slice %arg14[%add3A_177, %dma_wait3A_213] : memref<16x80xi32, #tpu.memory_space<vmem>> -> memref<1x80xi32, #tpu.memory_space<vmem>>
        %dma_wait3A_215 = tpu.memref_squeeze %dma_wait3A_214 : memref<1x80xi32, #tpu.memory_space<vmem>> -> memref<80xi32, #tpu.memory_space<vmem>>
        %dma_wait3A_216 = arith.constant 0 : i32
        %dma_wait3A_217 = arith.constant 0 : i32
        %dma_wait3A_218 = tpu.memref_slice %arg10[%dma_wait3A_216, %dma_wait3A_217] : memref<10240x128xf32, #tpu.memory_space<vmem_shared>> -> memref<10240x128xf32, #tpu.memory_space<vmem_shared>>
        tpu.wait_indirect_dma semaphore(%arg22 : memref<!tpu.dma_semaphore, #tpu.memory_space<semaphore_mem>>) src(%arg16 : memref<80x128xf32, #tpu.memory_space<vmem>>) dst(%dma_wait3A_218 : memref<10240x128xf32, #tpu.memory_space<vmem_shared>>)
        %dma_wait3A_219 = arith.constant 0 : i32
        %dma_wait3A_220 = tpu.memref_slice %arg14[%add3A_177, %dma_wait3A_219] : memref<16x80xi32, #tpu.memory_space<vmem>> -> memref<1x80xi32, #tpu.memory_space<vmem>>
        %dma_wait3A_221 = tpu.memref_squeeze %dma_wait3A_220 : memref<1x80xi32, #tpu.memory_space<vmem>> -> memref<80xi32, #tpu.memory_space<vmem>>
        %dma_wait3A_222 = arith.constant 0 : i32
        %dma_wait3A_223 = tpu.memref_slice %arg11[%dma_wait3A_222] : memref<10240xf32, #tpu.memory_space<vmem_shared>> -> memref<10240xf32, #tpu.memory_space<vmem_shared>>
        tpu.wait_indirect_dma semaphore(%arg24 : memref<!tpu.dma_semaphore, #tpu.memory_space<semaphore_mem>>) src(%arg19 : memref<80xf32, #tpu.memory_space<vmem>>) dst(%dma_wait3A_223 : memref<10240xf32, #tpu.memory_space<vmem_shared>>)
        %add3A_224 = arith.constant 1 : i32
        %add3A_225 = arith.addi %add3A_177, %add3A_224 : i32
        %dma_start3A_226 = arith.constant 0 : i32
        %dma_start3A_227 = tpu.memref_slice %arg12[%add3A_225, %dma_start3A_226] : memref<16x80xi32, #tpu.memory_space<vmem>> -> memref<1x80xi32, #tpu.memory_space<vmem>>
        %dma_start3A_228 = tpu.memref_squeeze %dma_start3A_227 : memref<1x80xi32, #tpu.memory_space<vmem>> -> memref<80xi32, #tpu.memory_space<vmem>>
        %dma_start3A_229 = arith.constant 0 : i32
        %dma_start3A_230 = arith.constant 0 : i32
        %dma_start3A_231 = tpu.memref_slice %arg2[%dma_start3A_229, %dma_start3A_230] : memref<10000x128xf32, #tpu.memory_space<hbm>> -> memref<10000x128xf32, #tpu.memory_space<hbm>>
        tpu.enqueue_indirect_dma source(%dma_start3A_231 : memref<10000x128xf32, #tpu.memory_space<hbm>>) target(%arg15 : memref<80x128xf32, #tpu.memory_space<vmem>>) offsets(%dma_start3A_228 : memref<80xi32, #tpu.memory_space<vmem>>) semaphore(%arg20 : memref<!tpu.dma_semaphore, #tpu.memory_space<semaphore_mem>>)
        %dma_start3A_232 = arith.constant 0 : i32
        %dma_start3A_233 = tpu.memref_slice %arg13[%add3A_225, %dma_start3A_232] : memref<16x80xi32, #tpu.memory_space<vmem>> -> memref<1x80xi32, #tpu.memory_space<vmem>>
        %dma_start3A_234 = tpu.memref_squeeze %dma_start3A_233 : memref<1x80xi32, #tpu.memory_space<vmem>> -> memref<80xi32, #tpu.memory_space<vmem>>
        %dma_start3A_235 = arith.constant 0 : i32
        %dma_start3A_236 = arith.constant 0 : i32
        %dma_start3A_237 = tpu.memref_slice %arg3[%dma_start3A_235, %dma_start3A_236] : memref<500x128xf32, #tpu.memory_space<hbm>> -> memref<500x128xf32, #tpu.memory_space<hbm>>
        tpu.enqueue_indirect_dma source(%dma_start3A_237 : memref<500x128xf32, #tpu.memory_space<hbm>>) target(%arg16 : memref<80x128xf32, #tpu.memory_space<vmem>>) offsets(%dma_start3A_234 : memref<80xi32, #tpu.memory_space<vmem>>) semaphore(%arg20 : memref<!tpu.dma_semaphore, #tpu.memory_space<semaphore_mem>>)
        %add3A_238 = arith.constant 1 : i32
        %add3A_239 = arith.addi %add3A_177, %add3A_238 : i32
        %dma_wait3A_240 = arith.constant 0 : i32
        %dma_wait3A_241 = tpu.memref_slice %arg12[%add3A_239, %dma_wait3A_240] : memref<16x80xi32, #tpu.memory_space<vmem>> -> memref<1x80xi32, #tpu.memory_space<vmem>>
        %dma_wait3A_242 = tpu.memref_squeeze %dma_wait3A_241 : memref<1x80xi32, #tpu.memory_space<vmem>> -> memref<80xi32, #tpu.memory_space<vmem>>
        %dma_wait3A_243 = arith.constant 0 : i32
        %dma_wait3A_244 = arith.constant 0 : i32
        %dma_wait3A_245 = tpu.memref_slice %arg2[%dma_wait3A_243, %dma_wait3A_244] : memref<10000x128xf32, #tpu.memory_space<hbm>> -> memref<10000x128xf32, #tpu.memory_space<hbm>>
        tpu.wait_indirect_dma semaphore(%arg20 : memref<!tpu.dma_semaphore, #tpu.memory_space<semaphore_mem>>) src(%dma_wait3A_245 : memref<10000x128xf32, #tpu.memory_space<hbm>>) dst(%arg15 : memref<80x128xf32, #tpu.memory_space<vmem>>)
        %dma_wait3A_246 = arith.constant 0 : i32
        %dma_wait3A_247 = tpu.memref_slice %arg13[%add3A_239, %dma_wait3A_246] : memref<16x80xi32, #tpu.memory_space<vmem>> -> memref<1x80xi32, #tpu.memory_space<vmem>>
        %dma_wait3A_248 = tpu.memref_squeeze %dma_wait3A_247 : memref<1x80xi32, #tpu.memory_space<vmem>> -> memref<80xi32, #tpu.memory_space<vmem>>
        %dma_wait3A_249 = arith.constant 0 : i32
        %dma_wait3A_250 = arith.constant 0 : i32
        %dma_wait3A_251 = tpu.memref_slice %arg3[%dma_wait3A_249, %dma_wait3A_250] : memref<500x128xf32, #tpu.memory_space<hbm>> -> memref<500x128xf32, #tpu.memory_space<hbm>>
        tpu.wait_indirect_dma semaphore(%arg20 : memref<!tpu.dma_semaphore, #tpu.memory_space<semaphore_mem>>) src(%dma_wait3A_251 : memref<500x128xf32, #tpu.memory_space<hbm>>) dst(%arg16 : memref<80x128xf32, #tpu.memory_space<vmem>>)
        %add3A_252 = arith.constant 1 : i32
        %add3A_253 = arith.addi %add3A_177, %add3A_252 : i32
        %dma_start3A_254 = arith.constant 0 : i32
        %dma_start3A_255 = tpu.memref_slice %arg14[%add3A_253, %dma_start3A_254] : memref<16x80xi32, #tpu.memory_space<vmem>> -> memref<1x80xi32, #tpu.memory_space<vmem>>
        %dma_start3A_256 = tpu.memref_squeeze %dma_start3A_255 : memref<1x80xi32, #tpu.memory_space<vmem>> -> memref<80xi32, #tpu.memory_space<vmem>>
        %dma_start3A_257 = arith.constant 0 : i32
        %dma_start3A_258 = arith.constant 0 : i32
        %dma_start3A_259 = tpu.memref_slice %arg10[%dma_start3A_257, %dma_start3A_258] : memref<10240x128xf32, #tpu.memory_space<vmem_shared>> -> memref<10240x128xf32, #tpu.memory_space<vmem_shared>>
        tpu.enqueue_indirect_dma source(%arg15 : memref<80x128xf32, #tpu.memory_space<vmem>>) target(%dma_start3A_259 : memref<10240x128xf32, #tpu.memory_space<vmem_shared>>) offsets(%dma_start3A_256 : memref<80xi32, #tpu.memory_space<vmem>>) semaphore(%arg22 : memref<!tpu.dma_semaphore, #tpu.memory_space<semaphore_mem>>) {add = true}
        %dma_start3A_260 = arith.constant 0 : i32
        %dma_start3A_261 = tpu.memref_slice %arg14[%add3A_253, %dma_start3A_260] : memref<16x80xi32, #tpu.memory_space<vmem>> -> memref<1x80xi32, #tpu.memory_space<vmem>>
        %dma_start3A_262 = tpu.memref_squeeze %dma_start3A_261 : memref<1x80xi32, #tpu.memory_space<vmem>> -> memref<80xi32, #tpu.memory_space<vmem>>
        %dma_start3A_263 = arith.constant 0 : i32
        %dma_start3A_264 = arith.constant 0 : i32
        %dma_start3A_265 = tpu.memref_slice %arg10[%dma_start3A_263, %dma_start3A_264] : memref<10240x128xf32, #tpu.memory_space<vmem_shared>> -> memref<10240x128xf32, #tpu.memory_space<vmem_shared>>
        tpu.enqueue_indirect_dma source(%arg16 : memref<80x128xf32, #tpu.memory_space<vmem>>) target(%dma_start3A_265 : memref<10240x128xf32, #tpu.memory_space<vmem_shared>>) offsets(%dma_start3A_262 : memref<80xi32, #tpu.memory_space<vmem>>) semaphore(%arg22 : memref<!tpu.dma_semaphore, #tpu.memory_space<semaphore_mem>>) {add = true}
        %dma_start3A_266 = arith.constant 0 : i32
        %dma_start3A_267 = tpu.memref_slice %arg14[%add3A_253, %dma_start3A_266] : memref<16x80xi32, #tpu.memory_space<vmem>> -> memref<1x80xi32, #tpu.memory_space<vmem>>
        %dma_start3A_268 = tpu.memref_squeeze %dma_start3A_267 : memref<1x80xi32, #tpu.memory_space<vmem>> -> memref<80xi32, #tpu.memory_space<vmem>>
        %dma_start3A_269 = arith.constant 0 : i32
        %dma_start3A_270 = tpu.memref_slice %arg11[%dma_start3A_269] : memref<10240xf32, #tpu.memory_space<vmem_shared>> -> memref<10240xf32, #tpu.memory_space<vmem_shared>>
        tpu.enqueue_indirect_dma source(%arg19 : memref<80xf32, #tpu.memory_space<vmem>>) target(%dma_start3A_270 : memref<10240xf32, #tpu.memory_space<vmem_shared>>) offsets(%dma_start3A_268 : memref<80xi32, #tpu.memory_space<vmem>>) semaphore(%arg24 : memref<!tpu.dma_semaphore, #tpu.memory_space<semaphore_mem>>) {add = true}
        %add3A_271 = arith.constant 1 : i32
        %add3A_272 = arith.addi %add3A_177, %add3A_271 : i32
        %dma_wait3A_273 = arith.constant 0 : i32
        %dma_wait3A_274 = tpu.memref_slice %arg14[%add3A_272, %dma_wait3A_273] : memref<16x80xi32, #tpu.memory_space<vmem>> -> memref<1x80xi32, #tpu.memory_space<vmem>>
        %dma_wait3A_275 = tpu.memref_squeeze %dma_wait3A_274 : memref<1x80xi32, #tpu.memory_space<vmem>> -> memref<80xi32, #tpu.memory_space<vmem>>
        %dma_wait3A_276 = arith.constant 0 : i32
        %dma_wait3A_277 = arith.constant 0 : i32
        %dma_wait3A_278 = tpu.memref_slice %arg10[%dma_wait3A_276, %dma_wait3A_277] : memref<10240x128xf32, #tpu.memory_space<vmem_shared>> -> memref<10240x128xf32, #tpu.memory_space<vmem_shared>>
        tpu.wait_indirect_dma semaphore(%arg23 : memref<!tpu.dma_semaphore, #tpu.memory_space<semaphore_mem>>) src(%arg17 : memref<80x128xf32, #tpu.memory_space<vmem>>) dst(%dma_wait3A_278 : memref<10240x128xf32, #tpu.memory_space<vmem_shared>>)
        %dma_wait3A_279 = arith.constant 0 : i32
        %dma_wait3A_280 = tpu.memref_slice %arg14[%add3A_272, %dma_wait3A_279] : memref<16x80xi32, #tpu.memory_space<vmem>> -> memref<1x80xi32, #tpu.memory_space<vmem>>
        %dma_wait3A_281 = tpu.memref_squeeze %dma_wait3A_280 : memref<1x80xi32, #tpu.memory_space<vmem>> -> memref<80xi32, #tpu.memory_space<vmem>>
        %dma_wait3A_282 = arith.constant 0 : i32
        %dma_wait3A_283 = arith.constant 0 : i32
        %dma_wait3A_284 = tpu.memref_slice %arg10[%dma_wait3A_282, %dma_wait3A_283] : memref<10240x128xf32, #tpu.memory_space<vmem_shared>> -> memref<10240x128xf32, #tpu.memory_space<vmem_shared>>
        tpu.wait_indirect_dma semaphore(%arg23 : memref<!tpu.dma_semaphore, #tpu.memory_space<semaphore_mem>>) src(%arg18 : memref<80x128xf32, #tpu.memory_space<vmem>>) dst(%dma_wait3A_284 : memref<10240x128xf32, #tpu.memory_space<vmem_shared>>)
        %dma_wait3A_285 = arith.constant 0 : i32
        %dma_wait3A_286 = tpu.memref_slice %arg14[%add3A_272, %dma_wait3A_285] : memref<16x80xi32, #tpu.memory_space<vmem>> -> memref<1x80xi32, #tpu.memory_space<vmem>>
        %dma_wait3A_287 = tpu.memref_squeeze %dma_wait3A_286 : memref<1x80xi32, #tpu.memory_space<vmem>> -> memref<80xi32, #tpu.memory_space<vmem>>
        %dma_wait3A_288 = arith.constant 0 : i32
        %dma_wait3A_289 = tpu.memref_slice %arg11[%dma_wait3A_288] : memref<10240xf32, #tpu.memory_space<vmem_shared>> -> memref<10240xf32, #tpu.memory_space<vmem_shared>>
        tpu.wait_indirect_dma semaphore(%arg24 : memref<!tpu.dma_semaphore, #tpu.memory_space<semaphore_mem>>) src(%arg19 : memref<80xf32, #tpu.memory_space<vmem>>) dst(%dma_wait3A_289 : memref<10240xf32, #tpu.memory_space<vmem_shared>>)
        %add3A_290 = arith.constant 2 : i32
        %add3A_291 = arith.addi %add3A_177, %add3A_290 : i32
        %dma_start3A_292 = arith.constant 0 : i32
        %dma_start3A_293 = tpu.memref_slice %arg12[%add3A_291, %dma_start3A_292] : memref<16x80xi32, #tpu.memory_space<vmem>> -> memref<1x80xi32, #tpu.memory_space<vmem>>
        %dma_start3A_294 = tpu.memref_squeeze %dma_start3A_293 : memref<1x80xi32, #tpu.memory_space<vmem>> -> memref<80xi32, #tpu.memory_space<vmem>>
        %dma_start3A_295 = arith.constant 0 : i32
        %dma_start3A_296 = arith.constant 0 : i32
        %dma_start3A_297 = tpu.memref_slice %arg2[%dma_start3A_295, %dma_start3A_296] : memref<10000x128xf32, #tpu.memory_space<hbm>> -> memref<10000x128xf32, #tpu.memory_space<hbm>>
        tpu.enqueue_indirect_dma source(%dma_start3A_297 : memref<10000x128xf32, #tpu.memory_space<hbm>>) target(%arg17 : memref<80x128xf32, #tpu.memory_space<vmem>>) offsets(%dma_start3A_294 : memref<80xi32, #tpu.memory_space<vmem>>) semaphore(%arg21 : memref<!tpu.dma_semaphore, #tpu.memory_space<semaphore_mem>>)
        %dma_start3A_298 = arith.constant 0 : i32
        %dma_start3A_299 = tpu.memref_slice %arg13[%add3A_291, %dma_start3A_298] : memref<16x80xi32, #tpu.memory_space<vmem>> -> memref<1x80xi32, #tpu.memory_space<vmem>>
        %dma_start3A_300 = tpu.memref_squeeze %dma_start3A_299 : memref<1x80xi32, #tpu.memory_space<vmem>> -> memref<80xi32, #tpu.memory_space<vmem>>
        %dma_start3A_301 = arith.constant 0 : i32
        %dma_start3A_302 = arith.constant 0 : i32
        %dma_start3A_303 = tpu.memref_slice %arg3[%dma_start3A_301, %dma_start3A_302] : memref<500x128xf32, #tpu.memory_space<hbm>> -> memref<500x128xf32, #tpu.memory_space<hbm>>
        tpu.enqueue_indirect_dma source(%dma_start3A_303 : memref<500x128xf32, #tpu.memory_space<hbm>>) target(%arg18 : memref<80x128xf32, #tpu.memory_space<vmem>>) offsets(%dma_start3A_300 : memref<80xi32, #tpu.memory_space<vmem>>) semaphore(%arg21 : memref<!tpu.dma_semaphore, #tpu.memory_space<semaphore_mem>>)
      }
      %scan3A_98 = arith.constant 7 : i32
      %dma_wait3A_99 = arith.constant 15 : i32
      %dma_wait3A_100 = arith.constant 0 : i32
      %dma_wait3A_101 = tpu.memref_slice %arg12[%dma_wait3A_99, %dma_wait3A_100] : memref<16x80xi32, #tpu.memory_space<vmem>> -> memref<1x80xi32, #tpu.memory_space<vmem>>
      %dma_wait3A_102 = tpu.memref_squeeze %dma_wait3A_101 : memref<1x80xi32, #tpu.memory_space<vmem>> -> memref<80xi32, #tpu.memory_space<vmem>>
      %dma_wait3A_103 = arith.constant 0 : i32
      %dma_wait3A_104 = arith.constant 0 : i32
      %dma_wait3A_105 = tpu.memref_slice %arg2[%dma_wait3A_103, %dma_wait3A_104] : memref<10000x128xf32, #tpu.memory_space<hbm>> -> memref<10000x128xf32, #tpu.memory_space<hbm>>
      tpu.wait_indirect_dma semaphore(%arg21 : memref<!tpu.dma_semaphore, #tpu.memory_space<semaphore_mem>>) src(%dma_wait3A_105 : memref<10000x128xf32, #tpu.memory_space<hbm>>) dst(%arg17 : memref<80x128xf32, #tpu.memory_space<vmem>>)
      %dma_wait3A_106 = arith.constant 15 : i32
      %dma_wait3A_107 = arith.constant 0 : i32
      %dma_wait3A_108 = tpu.memref_slice %arg13[%dma_wait3A_106, %dma_wait3A_107] : memref<16x80xi32, #tpu.memory_space<vmem>> -> memref<1x80xi32, #tpu.memory_space<vmem>>
      %dma_wait3A_109 = tpu.memref_squeeze %dma_wait3A_108 : memref<1x80xi32, #tpu.memory_space<vmem>> -> memref<80xi32, #tpu.memory_space<vmem>>
      %dma_wait3A_110 = arith.constant 0 : i32
      %dma_wait3A_111 = arith.constant 0 : i32
      %dma_wait3A_112 = tpu.memref_slice %arg3[%dma_wait3A_110, %dma_wait3A_111] : memref<500x128xf32, #tpu.memory_space<hbm>> -> memref<500x128xf32, #tpu.memory_space<hbm>>
      tpu.wait_indirect_dma semaphore(%arg21 : memref<!tpu.dma_semaphore, #tpu.memory_space<semaphore_mem>>) src(%dma_wait3A_112 : memref<500x128xf32, #tpu.memory_space<hbm>>) dst(%arg18 : memref<80x128xf32, #tpu.memory_space<vmem>>)
      %dma_start3A_113 = arith.constant 15 : i32
      %dma_start3A_114 = arith.constant 0 : i32
      %dma_start3A_115 = tpu.memref_slice %arg14[%dma_start3A_113, %dma_start3A_114] : memref<16x80xi32, #tpu.memory_space<vmem>> -> memref<1x80xi32, #tpu.memory_space<vmem>>
      %dma_start3A_116 = tpu.memref_squeeze %dma_start3A_115 : memref<1x80xi32, #tpu.memory_space<vmem>> -> memref<80xi32, #tpu.memory_space<vmem>>
      %dma_start3A_117 = arith.constant 0 : i32
      %dma_start3A_118 = arith.constant 0 : i32
      %dma_start3A_119 = tpu.memref_slice %arg10[%dma_start3A_117, %dma_start3A_118] : memref<10240x128xf32, #tpu.memory_space<vmem_shared>> -> memref<10240x128xf32, #tpu.memory_space<vmem_shared>>
      tpu.enqueue_indirect_dma source(%arg17 : memref<80x128xf32, #tpu.memory_space<vmem>>) target(%dma_start3A_119 : memref<10240x128xf32, #tpu.memory_space<vmem_shared>>) offsets(%dma_start3A_116 : memref<80xi32, #tpu.memory_space<vmem>>) semaphore(%arg23 : memref<!tpu.dma_semaphore, #tpu.memory_space<semaphore_mem>>) {add = true}
      %dma_start3A_120 = arith.constant 15 : i32
      %dma_start3A_121 = arith.constant 0 : i32
      %dma_start3A_122 = tpu.memref_slice %arg14[%dma_start3A_120, %dma_start3A_121] : memref<16x80xi32, #tpu.memory_space<vmem>> -> memref<1x80xi32, #tpu.memory_space<vmem>>
      %dma_start3A_123 = tpu.memref_squeeze %dma_start3A_122 : memref<1x80xi32, #tpu.memory_space<vmem>> -> memref<80xi32, #tpu.memory_space<vmem>>
      %dma_start3A_124 = arith.constant 0 : i32
      %dma_start3A_125 = arith.constant 0 : i32
      %dma_start3A_126 = tpu.memref_slice %arg10[%dma_start3A_124, %dma_start3A_125] : memref<10240x128xf32, #tpu.memory_space<vmem_shared>> -> memref<10240x128xf32, #tpu.memory_space<vmem_shared>>
      tpu.enqueue_indirect_dma source(%arg18 : memref<80x128xf32, #tpu.memory_space<vmem>>) target(%dma_start3A_126 : memref<10240x128xf32, #tpu.memory_space<vmem_shared>>) offsets(%dma_start3A_123 : memref<80xi32, #tpu.memory_space<vmem>>) semaphore(%arg23 : memref<!tpu.dma_semaphore, #tpu.memory_space<semaphore_mem>>) {add = true}
      %dma_start3A_127 = arith.constant 15 : i32
      %dma_start3A_128 = arith.constant 0 : i32
      %dma_start3A_129 = tpu.memref_slice %arg14[%dma_start3A_127, %dma_start3A_128] : memref<16x80xi32, #tpu.memory_space<vmem>> -> memref<1x80xi32, #tpu.memory_space<vmem>>
      %dma_start3A_130 = tpu.memref_squeeze %dma_start3A_129 : memref<1x80xi32, #tpu.memory_space<vmem>> -> memref<80xi32, #tpu.memory_space<vmem>>
      %dma_start3A_131 = arith.constant 0 : i32
      %dma_start3A_132 = tpu.memref_slice %arg11[%dma_start3A_131] : memref<10240xf32, #tpu.memory_space<vmem_shared>> -> memref<10240xf32, #tpu.memory_space<vmem_shared>>
      tpu.enqueue_indirect_dma source(%arg19 : memref<80xf32, #tpu.memory_space<vmem>>) target(%dma_start3A_132 : memref<10240xf32, #tpu.memory_space<vmem_shared>>) offsets(%dma_start3A_130 : memref<80xi32, #tpu.memory_space<vmem>>) semaphore(%arg24 : memref<!tpu.dma_semaphore, #tpu.memory_space<semaphore_mem>>) {add = true}
      %dma_wait3A_133 = arith.constant 14 : i32
      %dma_wait3A_134 = arith.constant 0 : i32
      %dma_wait3A_135 = tpu.memref_slice %arg14[%dma_wait3A_133, %dma_wait3A_134] : memref<16x80xi32, #tpu.memory_space<vmem>> -> memref<1x80xi32, #tpu.memory_space<vmem>>
      %dma_wait3A_136 = tpu.memref_squeeze %dma_wait3A_135 : memref<1x80xi32, #tpu.memory_space<vmem>> -> memref<80xi32, #tpu.memory_space<vmem>>
      %dma_wait3A_137 = arith.constant 0 : i32
      %dma_wait3A_138 = arith.constant 0 : i32
      %dma_wait3A_139 = tpu.memref_slice %arg10[%dma_wait3A_137, %dma_wait3A_138] : memref<10240x128xf32, #tpu.memory_space<vmem_shared>> -> memref<10240x128xf32, #tpu.memory_space<vmem_shared>>
      tpu.wait_indirect_dma semaphore(%arg22 : memref<!tpu.dma_semaphore, #tpu.memory_space<semaphore_mem>>) src(%arg15 : memref<80x128xf32, #tpu.memory_space<vmem>>) dst(%dma_wait3A_139 : memref<10240x128xf32, #tpu.memory_space<vmem_shared>>)
      %dma_wait3A_140 = arith.constant 14 : i32
      %dma_wait3A_141 = arith.constant 0 : i32
      %dma_wait3A_142 = tpu.memref_slice %arg14[%dma_wait3A_140, %dma_wait3A_141] : memref<16x80xi32, #tpu.memory_space<vmem>> -> memref<1x80xi32, #tpu.memory_space<vmem>>
      %dma_wait3A_143 = tpu.memref_squeeze %dma_wait3A_142 : memref<1x80xi32, #tpu.memory_space<vmem>> -> memref<80xi32, #tpu.memory_space<vmem>>
      %dma_wait3A_144 = arith.constant 0 : i32
      %dma_wait3A_145 = arith.constant 0 : i32
      %dma_wait3A_146 = tpu.memref_slice %arg10[%dma_wait3A_144, %dma_wait3A_145] : memref<10240x128xf32, #tpu.memory_space<vmem_shared>> -> memref<10240x128xf32, #tpu.memory_space<vmem_shared>>
      tpu.wait_indirect_dma semaphore(%arg22 : memref<!tpu.dma_semaphore, #tpu.memory_space<semaphore_mem>>) src(%arg16 : memref<80x128xf32, #tpu.memory_space<vmem>>) dst(%dma_wait3A_146 : memref<10240x128xf32, #tpu.memory_space<vmem_shared>>)
      %dma_wait3A_147 = arith.constant 14 : i32
      %dma_wait3A_148 = arith.constant 0 : i32
      %dma_wait3A_149 = tpu.memref_slice %arg14[%dma_wait3A_147, %dma_wait3A_148] : memref<16x80xi32, #tpu.memory_space<vmem>> -> memref<1x80xi32, #tpu.memory_space<vmem>>
      %dma_wait3A_150 = tpu.memref_squeeze %dma_wait3A_149 : memref<1x80xi32, #tpu.memory_space<vmem>> -> memref<80xi32, #tpu.memory_space<vmem>>
      %dma_wait3A_151 = arith.constant 0 : i32
      %dma_wait3A_152 = tpu.memref_slice %arg11[%dma_wait3A_151] : memref<10240xf32, #tpu.memory_space<vmem_shared>> -> memref<10240xf32, #tpu.memory_space<vmem_shared>>
      tpu.wait_indirect_dma semaphore(%arg24 : memref<!tpu.dma_semaphore, #tpu.memory_space<semaphore_mem>>) src(%arg19 : memref<80xf32, #tpu.memory_space<vmem>>) dst(%dma_wait3A_152 : memref<10240xf32, #tpu.memory_space<vmem_shared>>)
      %dma_wait3A_153 = arith.constant 15 : i32
      %dma_wait3A_154 = arith.constant 0 : i32
      %dma_wait3A_155 = tpu.memref_slice %arg14[%dma_wait3A_153, %dma_wait3A_154] : memref<16x80xi32, #tpu.memory_space<vmem>> -> memref<1x80xi32, #tpu.memory_space<vmem>>
      %dma_wait3A_156 = tpu.memref_squeeze %dma_wait3A_155 : memref<1x80xi32, #tpu.memory_space<vmem>> -> memref<80xi32, #tpu.memory_space<vmem>>
      %dma_wait3A_157 = arith.constant 0 : i32
      %dma_wait3A_158 = arith.constant 0 : i32
      %dma_wait3A_159 = tpu.memref_slice %arg10[%dma_wait3A_157, %dma_wait3A_158] : memref<10240x128xf32, #tpu.memory_space<vmem_shared>> -> memref<10240x128xf32, #tpu.memory_space<vmem_shared>>
      tpu.wait_indirect_dma semaphore(%arg23 : memref<!tpu.dma_semaphore, #tpu.memory_space<semaphore_mem>>) src(%arg17 : memref<80x128xf32, #tpu.memory_space<vmem>>) dst(%dma_wait3A_159 : memref<10240x128xf32, #tpu.memory_space<vmem_shared>>)
      %dma_wait3A_160 = arith.constant 15 : i32
      %dma_wait3A_161 = arith.constant 0 : i32
      %dma_wait3A_162 = tpu.memref_slice %arg14[%dma_wait3A_160, %dma_wait3A_161] : memref<16x80xi32, #tpu.memory_space<vmem>> -> memref<1x80xi32, #tpu.memory_space<vmem>>
      %dma_wait3A_163 = tpu.memref_squeeze %dma_wait3A_162 : memref<1x80xi32, #tpu.memory_space<vmem>> -> memref<80xi32, #tpu.memory_space<vmem>>
      %dma_wait3A_164 = arith.constant 0 : i32
      %dma_wait3A_165 = arith.constant 0 : i32
      %dma_wait3A_166 = tpu.memref_slice %arg10[%dma_wait3A_164, %dma_wait3A_165] : memref<10240x128xf32, #tpu.memory_space<vmem_shared>> -> memref<10240x128xf32, #tpu.memory_space<vmem_shared>>
      tpu.wait_indirect_dma semaphore(%arg23 : memref<!tpu.dma_semaphore, #tpu.memory_space<semaphore_mem>>) src(%arg18 : memref<80x128xf32, #tpu.memory_space<vmem>>) dst(%dma_wait3A_166 : memref<10240x128xf32, #tpu.memory_space<vmem_shared>>)
      %dma_wait3A_167 = arith.constant 15 : i32
      %dma_wait3A_168 = arith.constant 0 : i32
      %dma_wait3A_169 = tpu.memref_slice %arg14[%dma_wait3A_167, %dma_wait3A_168] : memref<16x80xi32, #tpu.memory_space<vmem>> -> memref<1x80xi32, #tpu.memory_space<vmem>>
      %dma_wait3A_170 = tpu.memref_squeeze %dma_wait3A_169 : memref<1x80xi32, #tpu.memory_space<vmem>> -> memref<80xi32, #tpu.memory_space<vmem>>
      %dma_wait3A_171 = arith.constant 0 : i32
      %dma_wait3A_172 = tpu.memref_slice %arg11[%dma_wait3A_171] : memref<10240xf32, #tpu.memory_space<vmem_shared>> -> memref<10240xf32, #tpu.memory_space<vmem_shared>>
      tpu.wait_indirect_dma semaphore(%arg24 : memref<!tpu.dma_semaphore, #tpu.memory_space<semaphore_mem>>) src(%arg19 : memref<80xf32, #tpu.memory_space<vmem>>) dst(%dma_wait3A_172 : memref<10240xf32, #tpu.memory_space<vmem_shared>>)
    }
    %while3A_24 = arith.constant 1 : i32
    scf.for %while3A_25 = %while3A_22 to %while3A_18 step %while3A_24  : i32 {
      %mul3A_26 = arith.muli %while3A_25, %while3A : i32
      %add3A_27 = arith.addi %while3A_15, %mul3A_26 : i32
      %mul3A_28 = arith.constant 32 : i32
      %mul3A_29 = arith.muli %mul3A_28, %add3A_27 : i32
      %add3A_30 = arith.addi %add3A, %mul3A_29 : i32
      %mul3A_31 = arith.constant 16 : i32
      %mul3A_32 = arith.muli %add3A_30, %mul3A_31 : i32
      %run_scoped3A = arith.constant 0 : i32
      "tpu.region"() ({
        %run_scoped3A_173 = tpu.sem_alloc : memref<!tpu.dma_semaphore, #tpu.memory_space<semaphore_mem>>
        %dma_start3A_174 = arith.constant 0 : i32
        %dma_start3A_175 = tpu.memref_slice %arg4[%run_scoped3A, %mul3A_32, %dma_start3A_174] : memref<2x4000x80xi32, #tpu.memory_space<hbm>> -> memref<1x16x80xi32, #tpu.memory_space<hbm>>
        %dma_start3A_176 = tpu.memref_squeeze %dma_start3A_175 : memref<1x16x80xi32, #tpu.memory_space<hbm>> -> memref<16x80xi32, #tpu.memory_space<hbm>>
        %dma_start3A_177 = arith.constant 0 : i32
        %dma_start3A_178 = tpu.memref_slice %arg4[%run_scoped3A, %mul3A_32, %dma_start3A_177] : memref<2x4000x80xi32, #tpu.memory_space<hbm>> -> memref<1x16x80xi32, #tpu.memory_space<hbm>>
        %dma_start3A_179 = tpu.memref_squeeze %dma_start3A_178 : memref<1x16x80xi32, #tpu.memory_space<hbm>> -> memref<16x80xi32, #tpu.memory_space<hbm>>
        tpu.enqueue_dma source(%dma_start3A_179 : memref<16x80xi32, #tpu.memory_space<hbm>>) target(%arg12 : memref<16x80xi32, #tpu.memory_space<vmem>>) target_semaphore(%run_scoped3A_173 : memref<!tpu.dma_semaphore, #tpu.memory_space<semaphore_mem>>)
        %dma_wait3A_180 = arith.constant 0 : i32
        %dma_wait3A_181 = tpu.memref_slice %arg4[%run_scoped3A, %mul3A_32, %dma_wait3A_180] : memref<2x4000x80xi32, #tpu.memory_space<hbm>> -> memref<1x16x80xi32, #tpu.memory_space<hbm>>
        %dma_wait3A_182 = tpu.memref_squeeze %dma_wait3A_181 : memref<1x16x80xi32, #tpu.memory_space<hbm>> -> memref<16x80xi32, #tpu.memory_space<hbm>>
        %dma_wait3A_183 = arith.constant 0 : i32
        %dma_wait3A_184 = tpu.memref_slice %arg4[%run_scoped3A, %mul3A_32, %dma_wait3A_183] : memref<2x4000x80xi32, #tpu.memory_space<hbm>> -> memref<1x16x80xi32, #tpu.memory_space<hbm>>
        %dma_wait3A_185 = tpu.memref_squeeze %dma_wait3A_184 : memref<1x16x80xi32, #tpu.memory_space<hbm>> -> memref<16x80xi32, #tpu.memory_space<hbm>>
        tpu.wait_dma2 semaphore(%run_scoped3A_173 : memref<!tpu.dma_semaphore, #tpu.memory_space<semaphore_mem>>) src(%dma_wait3A_185 : memref<16x80xi32, #tpu.memory_space<hbm>>) dst(%arg12 : memref<16x80xi32, #tpu.memory_space<vmem>>)
        tpu.yield
      }) : () -> ()
      "tpu.region"() ({
        %run_scoped3A_173 = tpu.sem_alloc : memref<!tpu.dma_semaphore, #tpu.memory_space<semaphore_mem>>
        %dma_start3A_174 = arith.constant 0 : i32
        %dma_start3A_175 = tpu.memref_slice %arg5[%mul3A_32, %dma_start3A_174] : memref<4000x80xi32, #tpu.memory_space<hbm>> -> memref<16x80xi32, #tpu.memory_space<hbm>>
        %dma_start3A_176 = arith.constant 0 : i32
        %dma_start3A_177 = tpu.memref_slice %arg5[%mul3A_32, %dma_start3A_176] : memref<4000x80xi32, #tpu.memory_space<hbm>> -> memref<16x80xi32, #tpu.memory_space<hbm>>
        tpu.enqueue_dma source(%dma_start3A_177 : memref<16x80xi32, #tpu.memory_space<hbm>>) target(%arg13 : memref<16x80xi32, #tpu.memory_space<vmem>>) target_semaphore(%run_scoped3A_173 : memref<!tpu.dma_semaphore, #tpu.memory_space<semaphore_mem>>)
        %dma_wait3A_178 = arith.constant 0 : i32
        %dma_wait3A_179 = tpu.memref_slice %arg5[%mul3A_32, %dma_wait3A_178] : memref<4000x80xi32, #tpu.memory_space<hbm>> -> memref<16x80xi32, #tpu.memory_space<hbm>>
        %dma_wait3A_180 = arith.constant 0 : i32
        %dma_wait3A_181 = tpu.memref_slice %arg5[%mul3A_32, %dma_wait3A_180] : memref<4000x80xi32, #tpu.memory_space<hbm>> -> memref<16x80xi32, #tpu.memory_space<hbm>>
        tpu.wait_dma2 semaphore(%run_scoped3A_173 : memref<!tpu.dma_semaphore, #tpu.memory_space<semaphore_mem>>) src(%dma_wait3A_181 : memref<16x80xi32, #tpu.memory_space<hbm>>) dst(%arg13 : memref<16x80xi32, #tpu.memory_space<vmem>>)
        tpu.yield
      }) : () -> ()
      %run_scoped3A_33 = arith.constant 1 : i32
      "tpu.region"() ({
        %run_scoped3A_173 = tpu.sem_alloc : memref<!tpu.dma_semaphore, #tpu.memory_space<semaphore_mem>>
        %dma_start3A_174 = arith.constant 0 : i32
        %dma_start3A_175 = tpu.memref_slice %arg4[%run_scoped3A_33, %mul3A_32, %dma_start3A_174] : memref<2x4000x80xi32, #tpu.memory_space<hbm>> -> memref<1x16x80xi32, #tpu.memory_space<hbm>>
        %dma_start3A_176 = tpu.memref_squeeze %dma_start3A_175 : memref<1x16x80xi32, #tpu.memory_space<hbm>> -> memref<16x80xi32, #tpu.memory_space<hbm>>
        %dma_start3A_177 = arith.constant 0 : i32
        %dma_start3A_178 = tpu.memref_slice %arg4[%run_scoped3A_33, %mul3A_32, %dma_start3A_177] : memref<2x4000x80xi32, #tpu.memory_space<hbm>> -> memref<1x16x80xi32, #tpu.memory_space<hbm>>
        %dma_start3A_179 = tpu.memref_squeeze %dma_start3A_178 : memref<1x16x80xi32, #tpu.memory_space<hbm>> -> memref<16x80xi32, #tpu.memory_space<hbm>>
        tpu.enqueue_dma source(%dma_start3A_179 : memref<16x80xi32, #tpu.memory_space<hbm>>) target(%arg14 : memref<16x80xi32, #tpu.memory_space<vmem>>) target_semaphore(%run_scoped3A_173 : memref<!tpu.dma_semaphore, #tpu.memory_space<semaphore_mem>>)
        %dma_wait3A_180 = arith.constant 0 : i32
        %dma_wait3A_181 = tpu.memref_slice %arg4[%run_scoped3A_33, %mul3A_32, %dma_wait3A_180] : memref<2x4000x80xi32, #tpu.memory_space<hbm>> -> memref<1x16x80xi32, #tpu.memory_space<hbm>>
        %dma_wait3A_182 = tpu.memref_squeeze %dma_wait3A_181 : memref<1x16x80xi32, #tpu.memory_space<hbm>> -> memref<16x80xi32, #tpu.memory_space<hbm>>
        %dma_wait3A_183 = arith.constant 0 : i32
        %dma_wait3A_184 = tpu.memref_slice %arg4[%run_scoped3A_33, %mul3A_32, %dma_wait3A_183] : memref<2x4000x80xi32, #tpu.memory_space<hbm>> -> memref<1x16x80xi32, #tpu.memory_space<hbm>>
        %dma_wait3A_185 = tpu.memref_squeeze %dma_wait3A_184 : memref<1x16x80xi32, #tpu.memory_space<hbm>> -> memref<16x80xi32, #tpu.memory_space<hbm>>
        tpu.wait_dma2 semaphore(%run_scoped3A_173 : memref<!tpu.dma_semaphore, #tpu.memory_space<semaphore_mem>>) src(%dma_wait3A_185 : memref<16x80xi32, #tpu.memory_space<hbm>>) dst(%arg14 : memref<16x80xi32, #tpu.memory_space<vmem>>)
        tpu.yield
      }) : () -> ()
      %dma_start3A = arith.constant 0 : i32
      %dma_start3A_34 = arith.constant 0 : i32
      %dma_start3A_35 = tpu.memref_slice %arg12[%dma_start3A, %dma_start3A_34] : memref<16x80xi32, #tpu.memory_space<vmem>> -> memref<1x80xi32, #tpu.memory_space<vmem>>
      %dma_start3A_36 = tpu.memref_squeeze %dma_start3A_35 : memref<1x80xi32, #tpu.memory_space<vmem>> -> memref<80xi32, #tpu.memory_space<vmem>>
      %dma_start3A_37 = arith.constant 0 : i32
      %dma_start3A_38 = arith.constant 0 : i32
      %dma_start3A_39 = tpu.memref_slice %arg2[%dma_start3A_37, %dma_start3A_38] : memref<10000x128xf32, #tpu.memory_space<hbm>> -> memref<10000x128xf32, #tpu.memory_space<hbm>>
      tpu.enqueue_indirect_dma source(%dma_start3A_39 : memref<10000x128xf32, #tpu.memory_space<hbm>>) target(%arg15 : memref<80x128xf32, #tpu.memory_space<vmem>>) offsets(%dma_start3A_36 : memref<80xi32, #tpu.memory_space<vmem>>) semaphore(%arg20 : memref<!tpu.dma_semaphore, #tpu.memory_space<semaphore_mem>>)
      %dma_start3A_40 = arith.constant 0 : i32
      %dma_start3A_41 = arith.constant 0 : i32
      %dma_start3A_42 = tpu.memref_slice %arg13[%dma_start3A_40, %dma_start3A_41] : memref<16x80xi32, #tpu.memory_space<vmem>> -> memref<1x80xi32, #tpu.memory_space<vmem>>
      %dma_start3A_43 = tpu.memref_squeeze %dma_start3A_42 : memref<1x80xi32, #tpu.memory_space<vmem>> -> memref<80xi32, #tpu.memory_space<vmem>>
      %dma_start3A_44 = arith.constant 0 : i32
      %dma_start3A_45 = arith.constant 0 : i32
      %dma_start3A_46 = tpu.memref_slice %arg3[%dma_start3A_44, %dma_start3A_45] : memref<500x128xf32, #tpu.memory_space<hbm>> -> memref<500x128xf32, #tpu.memory_space<hbm>>
      tpu.enqueue_indirect_dma source(%dma_start3A_46 : memref<500x128xf32, #tpu.memory_space<hbm>>) target(%arg16 : memref<80x128xf32, #tpu.memory_space<vmem>>) offsets(%dma_start3A_43 : memref<80xi32, #tpu.memory_space<vmem>>) semaphore(%arg20 : memref<!tpu.dma_semaphore, #tpu.memory_space<semaphore_mem>>)
      %dma_wait3A = arith.constant 0 : i32
      %dma_wait3A_47 = arith.constant 0 : i32
      %dma_wait3A_48 = tpu.memref_slice %arg12[%dma_wait3A, %dma_wait3A_47] : memref<16x80xi32, #tpu.memory_space<vmem>> -> memref<1x80xi32, #tpu.memory_space<vmem>>
      %dma_wait3A_49 = tpu.memref_squeeze %dma_wait3A_48 : memref<1x80xi32, #tpu.memory_space<vmem>> -> memref<80xi32, #tpu.memory_space<vmem>>
      %dma_wait3A_50 = arith.constant 0 : i32
      %dma_wait3A_51 = arith.constant 0 : i32
      %dma_wait3A_52 = tpu.memref_slice %arg2[%dma_wait3A_50, %dma_wait3A_51] : memref<10000x128xf32, #tpu.memory_space<hbm>> -> memref<10000x128xf32, #tpu.memory_space<hbm>>
      tpu.wait_indirect_dma semaphore(%arg20 : memref<!tpu.dma_semaphore, #tpu.memory_space<semaphore_mem>>) src(%dma_wait3A_52 : memref<10000x128xf32, #tpu.memory_space<hbm>>) dst(%arg15 : memref<80x128xf32, #tpu.memory_space<vmem>>)
      %dma_wait3A_53 = arith.constant 0 : i32
      %dma_wait3A_54 = arith.constant 0 : i32
      %dma_wait3A_55 = tpu.memref_slice %arg13[%dma_wait3A_53, %dma_wait3A_54] : memref<16x80xi32, #tpu.memory_space<vmem>> -> memref<1x80xi32, #tpu.memory_space<vmem>>
      %dma_wait3A_56 = tpu.memref_squeeze %dma_wait3A_55 : memref<1x80xi32, #tpu.memory_space<vmem>> -> memref<80xi32, #tpu.memory_space<vmem>>
      %dma_wait3A_57 = arith.constant 0 : i32
      %dma_wait3A_58 = arith.constant 0 : i32
      %dma_wait3A_59 = tpu.memref_slice %arg3[%dma_wait3A_57, %dma_wait3A_58] : memref<500x128xf32, #tpu.memory_space<hbm>> -> memref<500x128xf32, #tpu.memory_space<hbm>>
      tpu.wait_indirect_dma semaphore(%arg20 : memref<!tpu.dma_semaphore, #tpu.memory_space<semaphore_mem>>) src(%dma_wait3A_59 : memref<500x128xf32, #tpu.memory_space<hbm>>) dst(%arg16 : memref<80x128xf32, #tpu.memory_space<vmem>>)
      %dma_start3A_60 = arith.constant 0 : i32
      %dma_start3A_61 = arith.constant 0 : i32
      %dma_start3A_62 = tpu.memref_slice %arg14[%dma_start3A_60, %dma_start3A_61] : memref<16x80xi32, #tpu.memory_space<vmem>> -> memref<1x80xi32, #tpu.memory_space<vmem>>
      %dma_start3A_63 = tpu.memref_squeeze %dma_start3A_62 : memref<1x80xi32, #tpu.memory_space<vmem>> -> memref<80xi32, #tpu.memory_space<vmem>>
      %dma_start3A_64 = arith.constant 0 : i32
      %dma_start3A_65 = arith.constant 0 : i32
      %dma_start3A_66 = tpu.memref_slice %arg10[%dma_start3A_64, %dma_start3A_65] : memref<10240x128xf32, #tpu.memory_space<vmem_shared>> -> memref<10240x128xf32, #tpu.memory_space<vmem_shared>>
      tpu.enqueue_indirect_dma source(%arg15 : memref<80x128xf32, #tpu.memory_space<vmem>>) target(%dma_start3A_66 : memref<10240x128xf32, #tpu.memory_space<vmem_shared>>) offsets(%dma_start3A_63 : memref<80xi32, #tpu.memory_space<vmem>>) semaphore(%arg22 : memref<!tpu.dma_semaphore, #tpu.memory_space<semaphore_mem>>) {add = true}
      %dma_start3A_67 = arith.constant 0 : i32
      %dma_start3A_68 = arith.constant 0 : i32
      %dma_start3A_69 = tpu.memref_slice %arg14[%dma_start3A_67, %dma_start3A_68] : memref<16x80xi32, #tpu.memory_space<vmem>> -> memref<1x80xi32, #tpu.memory_space<vmem>>
      %dma_start3A_70 = tpu.memref_squeeze %dma_start3A_69 : memref<1x80xi32, #tpu.memory_space<vmem>> -> memref<80xi32, #tpu.memory_space<vmem>>
      %dma_start3A_71 = arith.constant 0 : i32
      %dma_start3A_72 = arith.constant 0 : i32
      %dma_start3A_73 = tpu.memref_slice %arg10[%dma_start3A_71, %dma_start3A_72] : memref<10240x128xf32, #tpu.memory_space<vmem_shared>> -> memref<10240x128xf32, #tpu.memory_space<vmem_shared>>
      tpu.enqueue_indirect_dma source(%arg16 : memref<80x128xf32, #tpu.memory_space<vmem>>) target(%dma_start3A_73 : memref<10240x128xf32, #tpu.memory_space<vmem_shared>>) offsets(%dma_start3A_70 : memref<80xi32, #tpu.memory_space<vmem>>) semaphore(%arg22 : memref<!tpu.dma_semaphore, #tpu.memory_space<semaphore_mem>>) {add = true}
      %dma_start3A_74 = arith.constant 0 : i32
      %dma_start3A_75 = arith.constant 0 : i32
      %dma_start3A_76 = tpu.memref_slice %arg14[%dma_start3A_74, %dma_start3A_75] : memref<16x80xi32, #tpu.memory_space<vmem>> -> memref<1x80xi32, #tpu.memory_space<vmem>>
      %dma_start3A_77 = tpu.memref_squeeze %dma_start3A_76 : memref<1x80xi32, #tpu.memory_space<vmem>> -> memref<80xi32, #tpu.memory_space<vmem>>
      %dma_start3A_78 = arith.constant 0 : i32
      %dma_start3A_79 = tpu.memref_slice %arg11[%dma_start3A_78] : memref<10240xf32, #tpu.memory_space<vmem_shared>> -> memref<10240xf32, #tpu.memory_space<vmem_shared>>
      tpu.enqueue_indirect_dma source(%arg19 : memref<80xf32, #tpu.memory_space<vmem>>) target(%dma_start3A_79 : memref<10240xf32, #tpu.memory_space<vmem_shared>>) offsets(%dma_start3A_77 : memref<80xi32, #tpu.memory_space<vmem>>) semaphore(%arg24 : memref<!tpu.dma_semaphore, #tpu.memory_space<semaphore_mem>>) {add = true}
      %dma_start3A_80 = arith.constant 1 : i32
      %dma_start3A_81 = arith.constant 0 : i32
      %dma_start3A_82 = tpu.memref_slice %arg12[%dma_start3A_80, %dma_start3A_81] : memref<16x80xi32, #tpu.memory_space<vmem>> -> memref<1x80xi32, #tpu.memory_space<vmem>>
      %dma_start3A_83 = tpu.memref_squeeze %dma_start3A_82 : memref<1x80xi32, #tpu.memory_space<vmem>> -> memref<80xi32, #tpu.memory_space<vmem>>
      %dma_start3A_84 = arith.constant 0 : i32
      %dma_start3A_85 = arith.constant 0 : i32
      %dma_start3A_86 = tpu.memref_slice %arg2[%dma_start3A_84, %dma_start3A_85] : memref<10000x128xf32, #tpu.memory_space<hbm>> -> memref<10000x128xf32, #tpu.memory_space<hbm>>
      tpu.enqueue_indirect_dma source(%dma_start3A_86 : memref<10000x128xf32, #tpu.memory_space<hbm>>) target(%arg17 : memref<80x128xf32, #tpu.memory_space<vmem>>) offsets(%dma_start3A_83 : memref<80xi32, #tpu.memory_space<vmem>>) semaphore(%arg21 : memref<!tpu.dma_semaphore, #tpu.memory_space<semaphore_mem>>)
      %dma_start3A_87 = arith.constant 1 : i32
      %dma_start3A_88 = arith.constant 0 : i32
      %dma_start3A_89 = tpu.memref_slice %arg13[%dma_start3A_87, %dma_start3A_88] : memref<16x80xi32, #tpu.memory_space<vmem>> -> memref<1x80xi32, #tpu.memory_space<vmem>>
      %dma_start3A_90 = tpu.memref_squeeze %dma_start3A_89 : memref<1x80xi32, #tpu.memory_space<vmem>> -> memref<80xi32, #tpu.memory_space<vmem>>
      %dma_start3A_91 = arith.constant 0 : i32
      %dma_start3A_92 = arith.constant 0 : i32
      %dma_start3A_93 = tpu.memref_slice %arg3[%dma_start3A_91, %dma_start3A_92] : memref<500x128xf32, #tpu.memory_space<hbm>> -> memref<500x128xf32, #tpu.memory_space<hbm>>
      tpu.enqueue_indirect_dma source(%dma_start3A_93 : memref<500x128xf32, #tpu.memory_space<hbm>>) target(%arg18 : memref<80x128xf32, #tpu.memory_space<vmem>>) offsets(%dma_start3A_90 : memref<80xi32, #tpu.memory_space<vmem>>) semaphore(%arg21 : memref<!tpu.dma_semaphore, #tpu.memory_space<semaphore_mem>>)
      %scan3A_94 = arith.constant 0 : i32
      %scan3A_95 = arith.constant 7 : i32
      %scan3A_96 = arith.addi %scan3A_94, %scan3A_95 : i32
      %scan3A_97 = arith.constant 1 : i32
      scf.for %scan3A_173 = %scan3A_94 to %scan3A_96 step %scan3A_97  : i32 {
        %mul3A_174 = arith.constant 2 : i32
        %mul3A_175 = arith.muli %scan3A_173, %mul3A_174 : i32
        %add3A_176 = arith.constant 1 : i32
        %add3A_177 = arith.addi %add3A_176, %mul3A_175 : i32
        %dma_wait3A_178 = arith.constant 0 : i32
        %dma_wait3A_179 = tpu.memref_slice %arg12[%add3A_177, %dma_wait3A_178] : memref<16x80xi32, #tpu.memory_space<vmem>> -> memref<1x80xi32, #tpu.memory_space<vmem>>
        %dma_wait3A_180 = tpu.memref_squeeze %dma_wait3A_179 : memref<1x80xi32, #tpu.memory_space<vmem>> -> memref<80xi32, #tpu.memory_space<vmem>>
        %dma_wait3A_181 = arith.constant 0 : i32
        %dma_wait3A_182 = arith.constant 0 : i32
        %dma_wait3A_183 = tpu.memref_slice %arg2[%dma_wait3A_181, %dma_wait3A_182] : memref<10000x128xf32, #tpu.memory_space<hbm>> -> memref<10000x128xf32, #tpu.memory_space<hbm>>
        tpu.wait_indirect_dma semaphore(%arg21 : memref<!tpu.dma_semaphore, #tpu.memory_space<semaphore_mem>>) src(%dma_wait3A_183 : memref<10000x128xf32, #tpu.memory_space<hbm>>) dst(%arg17 : memref<80x128xf32, #tpu.memory_space<vmem>>)
        %dma_wait3A_184 = arith.constant 0 : i32
        %dma_wait3A_185 = tpu.memref_slice %arg13[%add3A_177, %dma_wait3A_184] : memref<16x80xi32, #tpu.memory_space<vmem>> -> memref<1x80xi32, #tpu.memory_space<vmem>>
        %dma_wait3A_186 = tpu.memref_squeeze %dma_wait3A_185 : memref<1x80xi32, #tpu.memory_space<vmem>> -> memref<80xi32, #tpu.memory_space<vmem>>
        %dma_wait3A_187 = arith.constant 0 : i32
        %dma_wait3A_188 = arith.constant 0 : i32
        %dma_wait3A_189 = tpu.memref_slice %arg3[%dma_wait3A_187, %dma_wait3A_188] : memref<500x128xf32, #tpu.memory_space<hbm>> -> memref<500x128xf32, #tpu.memory_space<hbm>>
        tpu.wait_indirect_dma semaphore(%arg21 : memref<!tpu.dma_semaphore, #tpu.memory_space<semaphore_mem>>) src(%dma_wait3A_189 : memref<500x128xf32, #tpu.memory_space<hbm>>) dst(%arg18 : memref<80x128xf32, #tpu.memory_space<vmem>>)
        %dma_start3A_190 = arith.constant 0 : i32
        %dma_start3A_191 = tpu.memref_slice %arg14[%add3A_177, %dma_start3A_190] : memref<16x80xi32, #tpu.memory_space<vmem>> -> memref<1x80xi32, #tpu.memory_space<vmem>>
        %dma_start3A_192 = tpu.memref_squeeze %dma_start3A_191 : memref<1x80xi32, #tpu.memory_space<vmem>> -> memref<80xi32, #tpu.memory_space<vmem>>
        %dma_start3A_193 = arith.constant 0 : i32
        %dma_start3A_194 = arith.constant 0 : i32
        %dma_start3A_195 = tpu.memref_slice %arg10[%dma_start3A_193, %dma_start3A_194] : memref<10240x128xf32, #tpu.memory_space<vmem_shared>> -> memref<10240x128xf32, #tpu.memory_space<vmem_shared>>
        tpu.enqueue_indirect_dma source(%arg17 : memref<80x128xf32, #tpu.memory_space<vmem>>) target(%dma_start3A_195 : memref<10240x128xf32, #tpu.memory_space<vmem_shared>>) offsets(%dma_start3A_192 : memref<80xi32, #tpu.memory_space<vmem>>) semaphore(%arg23 : memref<!tpu.dma_semaphore, #tpu.memory_space<semaphore_mem>>) {add = true}
        %dma_start3A_196 = arith.constant 0 : i32
        %dma_start3A_197 = tpu.memref_slice %arg14[%add3A_177, %dma_start3A_196] : memref<16x80xi32, #tpu.memory_space<vmem>> -> memref<1x80xi32, #tpu.memory_space<vmem>>
        %dma_start3A_198 = tpu.memref_squeeze %dma_start3A_197 : memref<1x80xi32, #tpu.memory_space<vmem>> -> memref<80xi32, #tpu.memory_space<vmem>>
        %dma_start3A_199 = arith.constant 0 : i32
        %dma_start3A_200 = arith.constant 0 : i32
        %dma_start3A_201 = tpu.memref_slice %arg10[%dma_start3A_199, %dma_start3A_200] : memref<10240x128xf32, #tpu.memory_space<vmem_shared>> -> memref<10240x128xf32, #tpu.memory_space<vmem_shared>>
        tpu.enqueue_indirect_dma source(%arg18 : memref<80x128xf32, #tpu.memory_space<vmem>>) target(%dma_start3A_201 : memref<10240x128xf32, #tpu.memory_space<vmem_shared>>) offsets(%dma_start3A_198 : memref<80xi32, #tpu.memory_space<vmem>>) semaphore(%arg23 : memref<!tpu.dma_semaphore, #tpu.memory_space<semaphore_mem>>) {add = true}
        %dma_start3A_202 = arith.constant 0 : i32
        %dma_start3A_203 = tpu.memref_slice %arg14[%add3A_177, %dma_start3A_202] : memref<16x80xi32, #tpu.memory_space<vmem>> -> memref<1x80xi32, #tpu.memory_space<vmem>>
        %dma_start3A_204 = tpu.memref_squeeze %dma_start3A_203 : memref<1x80xi32, #tpu.memory_space<vmem>> -> memref<80xi32, #tpu.memory_space<vmem>>
        %dma_start3A_205 = arith.constant 0 : i32
        %dma_start3A_206 = tpu.memref_slice %arg11[%dma_start3A_205] : memref<10240xf32, #tpu.memory_space<vmem_shared>> -> memref<10240xf32, #tpu.memory_space<vmem_shared>>
        tpu.enqueue_indirect_dma source(%arg19 : memref<80xf32, #tpu.memory_space<vmem>>) target(%dma_start3A_206 : memref<10240xf32, #tpu.memory_space<vmem_shared>>) offsets(%dma_start3A_204 : memref<80xi32, #tpu.memory_space<vmem>>) semaphore(%arg24 : memref<!tpu.dma_semaphore, #tpu.memory_space<semaphore_mem>>) {add = true}
        %dma_wait3A_207 = arith.constant 0 : i32
        %dma_wait3A_208 = tpu.memref_slice %arg14[%add3A_177, %dma_wait3A_207] : memref<16x80xi32, #tpu.memory_space<vmem>> -> memref<1x80xi32, #tpu.memory_space<vmem>>
        %dma_wait3A_209 = tpu.memref_squeeze %dma_wait3A_208 : memref<1x80xi32, #tpu.memory_space<vmem>> -> memref<80xi32, #tpu.memory_space<vmem>>
        %dma_wait3A_210 = arith.constant 0 : i32
        %dma_wait3A_211 = arith.constant 0 : i32
        %dma_wait3A_212 = tpu.memref_slice %arg10[%dma_wait3A_210, %dma_wait3A_211] : memref<10240x128xf32, #tpu.memory_space<vmem_shared>> -> memref<10240x128xf32, #tpu.memory_space<vmem_shared>>
        tpu.wait_indirect_dma semaphore(%arg22 : memref<!tpu.dma_semaphore, #tpu.memory_space<semaphore_mem>>) src(%arg15 : memref<80x128xf32, #tpu.memory_space<vmem>>) dst(%dma_wait3A_212 : memref<10240x128xf32, #tpu.memory_space<vmem_shared>>)
        %dma_wait3A_213 = arith.constant 0 : i32
        %dma_wait3A_214 = tpu.memref_slice %arg14[%add3A_177, %dma_wait3A_213] : memref<16x80xi32, #tpu.memory_space<vmem>> -> memref<1x80xi32, #tpu.memory_space<vmem>>
        %dma_wait3A_215 = tpu.memref_squeeze %dma_wait3A_214 : memref<1x80xi32, #tpu.memory_space<vmem>> -> memref<80xi32, #tpu.memory_space<vmem>>
        %dma_wait3A_216 = arith.constant 0 : i32
        %dma_wait3A_217 = arith.constant 0 : i32
        %dma_wait3A_218 = tpu.memref_slice %arg10[%dma_wait3A_216, %dma_wait3A_217] : memref<10240x128xf32, #tpu.memory_space<vmem_shared>> -> memref<10240x128xf32, #tpu.memory_space<vmem_shared>>
        tpu.wait_indirect_dma semaphore(%arg22 : memref<!tpu.dma_semaphore, #tpu.memory_space<semaphore_mem>>) src(%arg16 : memref<80x128xf32, #tpu.memory_space<vmem>>) dst(%dma_wait3A_218 : memref<10240x128xf32, #tpu.memory_space<vmem_shared>>)
        %dma_wait3A_219 = arith.constant 0 : i32
        %dma_wait3A_220 = tpu.memref_slice %arg14[%add3A_177, %dma_wait3A_219] : memref<16x80xi32, #tpu.memory_space<vmem>> -> memref<1x80xi32, #tpu.memory_space<vmem>>
        %dma_wait3A_221 = tpu.memref_squeeze %dma_wait3A_220 : memref<1x80xi32, #tpu.memory_space<vmem>> -> memref<80xi32, #tpu.memory_space<vmem>>
        %dma_wait3A_222 = arith.constant 0 : i32
        %dma_wait3A_223 = tpu.memref_slice %arg11[%dma_wait3A_222] : memref<10240xf32, #tpu.memory_space<vmem_shared>> -> memref<10240xf32, #tpu.memory_space<vmem_shared>>
        tpu.wait_indirect_dma semaphore(%arg24 : memref<!tpu.dma_semaphore, #tpu.memory_space<semaphore_mem>>) src(%arg19 : memref<80xf32, #tpu.memory_space<vmem>>) dst(%dma_wait3A_223 : memref<10240xf32, #tpu.memory_space<vmem_shared>>)
        %add3A_224 = arith.constant 1 : i32
        %add3A_225 = arith.addi %add3A_177, %add3A_224 : i32
        %dma_start3A_226 = arith.constant 0 : i32
        %dma_start3A_227 = tpu.memref_slice %arg12[%add3A_225, %dma_start3A_226] : memref<16x80xi32, #tpu.memory_space<vmem>> -> memref<1x80xi32, #tpu.memory_space<vmem>>
        %dma_start3A_228 = tpu.memref_squeeze %dma_start3A_227 : memref<1x80xi32, #tpu.memory_space<vmem>> -> memref<80xi32, #tpu.memory_space<vmem>>
        %dma_start3A_229 = arith.constant 0 : i32
        %dma_start3A_230 = arith.constant 0 : i32
        %dma_start3A_231 = tpu.memref_slice %arg2[%dma_start3A_229, %dma_start3A_230] : memref<10000x128xf32, #tpu.memory_space<hbm>> -> memref<10000x128xf32, #tpu.memory_space<hbm>>
        tpu.enqueue_indirect_dma source(%dma_start3A_231 : memref<10000x128xf32, #tpu.memory_space<hbm>>) target(%arg15 : memref<80x128xf32, #tpu.memory_space<vmem>>) offsets(%dma_start3A_228 : memref<80xi32, #tpu.memory_space<vmem>>) semaphore(%arg20 : memref<!tpu.dma_semaphore, #tpu.memory_space<semaphore_mem>>)
        %dma_start3A_232 = arith.constant 0 : i32
        %dma_start3A_233 = tpu.memref_slice %arg13[%add3A_225, %dma_start3A_232] : memref<16x80xi32, #tpu.memory_space<vmem>> -> memref<1x80xi32, #tpu.memory_space<vmem>>
        %dma_start3A_234 = tpu.memref_squeeze %dma_start3A_233 : memref<1x80xi32, #tpu.memory_space<vmem>> -> memref<80xi32, #tpu.memory_space<vmem>>
        %dma_start3A_235 = arith.constant 0 : i32
        %dma_start3A_236 = arith.constant 0 : i32
        %dma_start3A_237 = tpu.memref_slice %arg3[%dma_start3A_235, %dma_start3A_236] : memref<500x128xf32, #tpu.memory_space<hbm>> -> memref<500x128xf32, #tpu.memory_space<hbm>>
        tpu.enqueue_indirect_dma source(%dma_start3A_237 : memref<500x128xf32, #tpu.memory_space<hbm>>) target(%arg16 : memref<80x128xf32, #tpu.memory_space<vmem>>) offsets(%dma_start3A_234 : memref<80xi32, #tpu.memory_space<vmem>>) semaphore(%arg20 : memref<!tpu.dma_semaphore, #tpu.memory_space<semaphore_mem>>)
        %add3A_238 = arith.constant 1 : i32
        %add3A_239 = arith.addi %add3A_177, %add3A_238 : i32
        %dma_wait3A_240 = arith.constant 0 : i32
        %dma_wait3A_241 = tpu.memref_slice %arg12[%add3A_239, %dma_wait3A_240] : memref<16x80xi32, #tpu.memory_space<vmem>> -> memref<1x80xi32, #tpu.memory_space<vmem>>
        %dma_wait3A_242 = tpu.memref_squeeze %dma_wait3A_241 : memref<1x80xi32, #tpu.memory_space<vmem>> -> memref<80xi32, #tpu.memory_space<vmem>>
        %dma_wait3A_243 = arith.constant 0 : i32
        %dma_wait3A_244 = arith.constant 0 : i32
        %dma_wait3A_245 = tpu.memref_slice %arg2[%dma_wait3A_243, %dma_wait3A_244] : memref<10000x128xf32, #tpu.memory_space<hbm>> -> memref<10000x128xf32, #tpu.memory_space<hbm>>
        tpu.wait_indirect_dma semaphore(%arg20 : memref<!tpu.dma_semaphore, #tpu.memory_space<semaphore_mem>>) src(%dma_wait3A_245 : memref<10000x128xf32, #tpu.memory_space<hbm>>) dst(%arg15 : memref<80x128xf32, #tpu.memory_space<vmem>>)
        %dma_wait3A_246 = arith.constant 0 : i32
        %dma_wait3A_247 = tpu.memref_slice %arg13[%add3A_239, %dma_wait3A_246] : memref<16x80xi32, #tpu.memory_space<vmem>> -> memref<1x80xi32, #tpu.memory_space<vmem>>
        %dma_wait3A_248 = tpu.memref_squeeze %dma_wait3A_247 : memref<1x80xi32, #tpu.memory_space<vmem>> -> memref<80xi32, #tpu.memory_space<vmem>>
        %dma_wait3A_249 = arith.constant 0 : i32
        %dma_wait3A_250 = arith.constant 0 : i32
        %dma_wait3A_251 = tpu.memref_slice %arg3[%dma_wait3A_249, %dma_wait3A_250] : memref<500x128xf32, #tpu.memory_space<hbm>> -> memref<500x128xf32, #tpu.memory_space<hbm>>
        tpu.wait_indirect_dma semaphore(%arg20 : memref<!tpu.dma_semaphore, #tpu.memory_space<semaphore_mem>>) src(%dma_wait3A_251 : memref<500x128xf32, #tpu.memory_space<hbm>>) dst(%arg16 : memref<80x128xf32, #tpu.memory_space<vmem>>)
        %add3A_252 = arith.constant 1 : i32
        %add3A_253 = arith.addi %add3A_177, %add3A_252 : i32
        %dma_start3A_254 = arith.constant 0 : i32
        %dma_start3A_255 = tpu.memref_slice %arg14[%add3A_253, %dma_start3A_254] : memref<16x80xi32, #tpu.memory_space<vmem>> -> memref<1x80xi32, #tpu.memory_space<vmem>>
        %dma_start3A_256 = tpu.memref_squeeze %dma_start3A_255 : memref<1x80xi32, #tpu.memory_space<vmem>> -> memref<80xi32, #tpu.memory_space<vmem>>
        %dma_start3A_257 = arith.constant 0 : i32
        %dma_start3A_258 = arith.constant 0 : i32
        %dma_start3A_259 = tpu.memref_slice %arg10[%dma_start3A_257, %dma_start3A_258] : memref<10240x128xf32, #tpu.memory_space<vmem_shared>> -> memref<10240x128xf32, #tpu.memory_space<vmem_shared>>
        tpu.enqueue_indirect_dma source(%arg15 : memref<80x128xf32, #tpu.memory_space<vmem>>) target(%dma_start3A_259 : memref<10240x128xf32, #tpu.memory_space<vmem_shared>>) offsets(%dma_start3A_256 : memref<80xi32, #tpu.memory_space<vmem>>) semaphore(%arg22 : memref<!tpu.dma_semaphore, #tpu.memory_space<semaphore_mem>>) {add = true}
        %dma_start3A_260 = arith.constant 0 : i32
        %dma_start3A_261 = tpu.memref_slice %arg14[%add3A_253, %dma_start3A_260] : memref<16x80xi32, #tpu.memory_space<vmem>> -> memref<1x80xi32, #tpu.memory_space<vmem>>
        %dma_start3A_262 = tpu.memref_squeeze %dma_start3A_261 : memref<1x80xi32, #tpu.memory_space<vmem>> -> memref<80xi32, #tpu.memory_space<vmem>>
        %dma_start3A_263 = arith.constant 0 : i32
        %dma_start3A_264 = arith.constant 0 : i32
        %dma_start3A_265 = tpu.memref_slice %arg10[%dma_start3A_263, %dma_start3A_264] : memref<10240x128xf32, #tpu.memory_space<vmem_shared>> -> memref<10240x128xf32, #tpu.memory_space<vmem_shared>>
        tpu.enqueue_indirect_dma source(%arg16 : memref<80x128xf32, #tpu.memory_space<vmem>>) target(%dma_start3A_265 : memref<10240x128xf32, #tpu.memory_space<vmem_shared>>) offsets(%dma_start3A_262 : memref<80xi32, #tpu.memory_space<vmem>>) semaphore(%arg22 : memref<!tpu.dma_semaphore, #tpu.memory_space<semaphore_mem>>) {add = true}
        %dma_start3A_266 = arith.constant 0 : i32
        %dma_start3A_267 = tpu.memref_slice %arg14[%add3A_253, %dma_start3A_266] : memref<16x80xi32, #tpu.memory_space<vmem>> -> memref<1x80xi32, #tpu.memory_space<vmem>>
        %dma_start3A_268 = tpu.memref_squeeze %dma_start3A_267 : memref<1x80xi32, #tpu.memory_space<vmem>> -> memref<80xi32, #tpu.memory_space<vmem>>
        %dma_start3A_269 = arith.constant 0 : i32
        %dma_start3A_270 = tpu.memref_slice %arg11[%dma_start3A_269] : memref<10240xf32, #tpu.memory_space<vmem_shared>> -> memref<10240xf32, #tpu.memory_space<vmem_shared>>
        tpu.enqueue_indirect_dma source(%arg19 : memref<80xf32, #tpu.memory_space<vmem>>) target(%dma_start3A_270 : memref<10240xf32, #tpu.memory_space<vmem_shared>>) offsets(%dma_start3A_268 : memref<80xi32, #tpu.memory_space<vmem>>) semaphore(%arg24 : memref<!tpu.dma_semaphore, #tpu.memory_space<semaphore_mem>>) {add = true}
        %add3A_271 = arith.constant 1 : i32
        %add3A_272 = arith.addi %add3A_177, %add3A_271 : i32
        %dma_wait3A_273 = arith.constant 0 : i32
        %dma_wait3A_274 = tpu.memref_slice %arg14[%add3A_272, %dma_wait3A_273] : memref<16x80xi32, #tpu.memory_space<vmem>> -> memref<1x80xi32, #tpu.memory_space<vmem>>
        %dma_wait3A_275 = tpu.memref_squeeze %dma_wait3A_274 : memref<1x80xi32, #tpu.memory_space<vmem>> -> memref<80xi32, #tpu.memory_space<vmem>>
        %dma_wait3A_276 = arith.constant 0 : i32
        %dma_wait3A_277 = arith.constant 0 : i32
        %dma_wait3A_278 = tpu.memref_slice %arg10[%dma_wait3A_276, %dma_wait3A_277] : memref<10240x128xf32, #tpu.memory_space<vmem_shared>> -> memref<10240x128xf32, #tpu.memory_space<vmem_shared>>
        tpu.wait_indirect_dma semaphore(%arg23 : memref<!tpu.dma_semaphore, #tpu.memory_space<semaphore_mem>>) src(%arg17 : memref<80x128xf32, #tpu.memory_space<vmem>>) dst(%dma_wait3A_278 : memref<10240x128xf32, #tpu.memory_space<vmem_shared>>)
        %dma_wait3A_279 = arith.constant 0 : i32
        %dma_wait3A_280 = tpu.memref_slice %arg14[%add3A_272, %dma_wait3A_279] : memref<16x80xi32, #tpu.memory_space<vmem>> -> memref<1x80xi32, #tpu.memory_space<vmem>>
        %dma_wait3A_281 = tpu.memref_squeeze %dma_wait3A_280 : memref<1x80xi32, #tpu.memory_space<vmem>> -> memref<80xi32, #tpu.memory_space<vmem>>
        %dma_wait3A_282 = arith.constant 0 : i32
        %dma_wait3A_283 = arith.constant 0 : i32
        %dma_wait3A_284 = tpu.memref_slice %arg10[%dma_wait3A_282, %dma_wait3A_283] : memref<10240x128xf32, #tpu.memory_space<vmem_shared>> -> memref<10240x128xf32, #tpu.memory_space<vmem_shared>>
        tpu.wait_indirect_dma semaphore(%arg23 : memref<!tpu.dma_semaphore, #tpu.memory_space<semaphore_mem>>) src(%arg18 : memref<80x128xf32, #tpu.memory_space<vmem>>) dst(%dma_wait3A_284 : memref<10240x128xf32, #tpu.memory_space<vmem_shared>>)
        %dma_wait3A_285 = arith.constant 0 : i32
        %dma_wait3A_286 = tpu.memref_slice %arg14[%add3A_272, %dma_wait3A_285] : memref<16x80xi32, #tpu.memory_space<vmem>> -> memref<1x80xi32, #tpu.memory_space<vmem>>
        %dma_wait3A_287 = tpu.memref_squeeze %dma_wait3A_286 : memref<1x80xi32, #tpu.memory_space<vmem>> -> memref<80xi32, #tpu.memory_space<vmem>>
        %dma_wait3A_288 = arith.constant 0 : i32
        %dma_wait3A_289 = tpu.memref_slice %arg11[%dma_wait3A_288] : memref<10240xf32, #tpu.memory_space<vmem_shared>> -> memref<10240xf32, #tpu.memory_space<vmem_shared>>
        tpu.wait_indirect_dma semaphore(%arg24 : memref<!tpu.dma_semaphore, #tpu.memory_space<semaphore_mem>>) src(%arg19 : memref<80xf32, #tpu.memory_space<vmem>>) dst(%dma_wait3A_289 : memref<10240xf32, #tpu.memory_space<vmem_shared>>)
        %add3A_290 = arith.constant 2 : i32
        %add3A_291 = arith.addi %add3A_177, %add3A_290 : i32
        %dma_start3A_292 = arith.constant 0 : i32
        %dma_start3A_293 = tpu.memref_slice %arg12[%add3A_291, %dma_start3A_292] : memref<16x80xi32, #tpu.memory_space<vmem>> -> memref<1x80xi32, #tpu.memory_space<vmem>>
        %dma_start3A_294 = tpu.memref_squeeze %dma_start3A_293 : memref<1x80xi32, #tpu.memory_space<vmem>> -> memref<80xi32, #tpu.memory_space<vmem>>
        %dma_start3A_295 = arith.constant 0 : i32
        %dma_start3A_296 = arith.constant 0 : i32
        %dma_start3A_297 = tpu.memref_slice %arg2[%dma_start3A_295, %dma_start3A_296] : memref<10000x128xf32, #tpu.memory_space<hbm>> -> memref<10000x128xf32, #tpu.memory_space<hbm>>
        tpu.enqueue_indirect_dma source(%dma_start3A_297 : memref<10000x128xf32, #tpu.memory_space<hbm>>) target(%arg17 : memref<80x128xf32, #tpu.memory_space<vmem>>) offsets(%dma_start3A_294 : memref<80xi32, #tpu.memory_space<vmem>>) semaphore(%arg21 : memref<!tpu.dma_semaphore, #tpu.memory_space<semaphore_mem>>)
        %dma_start3A_298 = arith.constant 0 : i32
        %dma_start3A_299 = tpu.memref_slice %arg13[%add3A_291, %dma_start3A_298] : memref<16x80xi32, #tpu.memory_space<vmem>> -> memref<1x80xi32, #tpu.memory_space<vmem>>
        %dma_start3A_300 = tpu.memref_squeeze %dma_start3A_299 : memref<1x80xi32, #tpu.memory_space<vmem>> -> memref<80xi32, #tpu.memory_space<vmem>>
        %dma_start3A_301 = arith.constant 0 : i32
        %dma_start3A_302 = arith.constant 0 : i32
        %dma_start3A_303 = tpu.memref_slice %arg3[%dma_start3A_301, %dma_start3A_302] : memref<500x128xf32, #tpu.memory_space<hbm>> -> memref<500x128xf32, #tpu.memory_space<hbm>>
        tpu.enqueue_indirect_dma source(%dma_start3A_303 : memref<500x128xf32, #tpu.memory_space<hbm>>) target(%arg18 : memref<80x128xf32, #tpu.memory_space<vmem>>) offsets(%dma_start3A_300 : memref<80xi32, #tpu.memory_space<vmem>>) semaphore(%arg21 : memref<!tpu.dma_semaphore, #tpu.memory_space<semaphore_mem>>)
      }
      %scan3A_98 = arith.constant 7 : i32
      %dma_wait3A_99 = arith.constant 15 : i32
      %dma_wait3A_100 = arith.constant 0 : i32
      %dma_wait3A_101 = tpu.memref_slice %arg12[%dma_wait3A_99, %dma_wait3A_100] : memref<16x80xi32, #tpu.memory_space<vmem>> -> memref<1x80xi32, #tpu.memory_space<vmem>>
      %dma_wait3A_102 = tpu.memref_squeeze %dma_wait3A_101 : memref<1x80xi32, #tpu.memory_space<vmem>> -> memref<80xi32, #tpu.memory_space<vmem>>
      %dma_wait3A_103 = arith.constant 0 : i32
      %dma_wait3A_104 = arith.constant 0 : i32
      %dma_wait3A_105 = tpu.memref_slice %arg2[%dma_wait3A_103, %dma_wait3A_104] : memref<10000x128xf32, #tpu.memory_space<hbm>> -> memref<10000x128xf32, #tpu.memory_space<hbm>>
      tpu.wait_indirect_dma semaphore(%arg21 : memref<!tpu.dma_semaphore, #tpu.memory_space<semaphore_mem>>) src(%dma_wait3A_105 : memref<10000x128xf32, #tpu.memory_space<hbm>>) dst(%arg17 : memref<80x128xf32, #tpu.memory_space<vmem>>)
      %dma_wait3A_106 = arith.constant 15 : i32
      %dma_wait3A_107 = arith.constant 0 : i32
      %dma_wait3A_108 = tpu.memref_slice %arg13[%dma_wait3A_106, %dma_wait3A_107] : memref<16x80xi32, #tpu.memory_space<vmem>> -> memref<1x80xi32, #tpu.memory_space<vmem>>
      %dma_wait3A_109 = tpu.memref_squeeze %dma_wait3A_108 : memref<1x80xi32, #tpu.memory_space<vmem>> -> memref<80xi32, #tpu.memory_space<vmem>>
      %dma_wait3A_110 = arith.constant 0 : i32
      %dma_wait3A_111 = arith.constant 0 : i32
      %dma_wait3A_112 = tpu.memref_slice %arg3[%dma_wait3A_110, %dma_wait3A_111] : memref<500x128xf32, #tpu.memory_space<hbm>> -> memref<500x128xf32, #tpu.memory_space<hbm>>
      tpu.wait_indirect_dma semaphore(%arg21 : memref<!tpu.dma_semaphore, #tpu.memory_space<semaphore_mem>>) src(%dma_wait3A_112 : memref<500x128xf32, #tpu.memory_space<hbm>>) dst(%arg18 : memref<80x128xf32, #tpu.memory_space<vmem>>)
      %dma_start3A_113 = arith.constant 15 : i32
      %dma_start3A_114 = arith.constant 0 : i32
      %dma_start3A_115 = tpu.memref_slice %arg14[%dma_start3A_113, %dma_start3A_114] : memref<16x80xi32, #tpu.memory_space<vmem>> -> memref<1x80xi32, #tpu.memory_space<vmem>>
      %dma_start3A_116 = tpu.memref_squeeze %dma_start3A_115 : memref<1x80xi32, #tpu.memory_space<vmem>> -> memref<80xi32, #tpu.memory_space<vmem>>
      %dma_start3A_117 = arith.constant 0 : i32
      %dma_start3A_118 = arith.constant 0 : i32
      %dma_start3A_119 = tpu.memref_slice %arg10[%dma_start3A_117, %dma_start3A_118] : memref<10240x128xf32, #tpu.memory_space<vmem_shared>> -> memref<10240x128xf32, #tpu.memory_space<vmem_shared>>
      tpu.enqueue_indirect_dma source(%arg17 : memref<80x128xf32, #tpu.memory_space<vmem>>) target(%dma_start3A_119 : memref<10240x128xf32, #tpu.memory_space<vmem_shared>>) offsets(%dma_start3A_116 : memref<80xi32, #tpu.memory_space<vmem>>) semaphore(%arg23 : memref<!tpu.dma_semaphore, #tpu.memory_space<semaphore_mem>>) {add = true}
      %dma_start3A_120 = arith.constant 15 : i32
      %dma_start3A_121 = arith.constant 0 : i32
      %dma_start3A_122 = tpu.memref_slice %arg14[%dma_start3A_120, %dma_start3A_121] : memref<16x80xi32, #tpu.memory_space<vmem>> -> memref<1x80xi32, #tpu.memory_space<vmem>>
      %dma_start3A_123 = tpu.memref_squeeze %dma_start3A_122 : memref<1x80xi32, #tpu.memory_space<vmem>> -> memref<80xi32, #tpu.memory_space<vmem>>
      %dma_start3A_124 = arith.constant 0 : i32
      %dma_start3A_125 = arith.constant 0 : i32
      %dma_start3A_126 = tpu.memref_slice %arg10[%dma_start3A_124, %dma_start3A_125] : memref<10240x128xf32, #tpu.memory_space<vmem_shared>> -> memref<10240x128xf32, #tpu.memory_space<vmem_shared>>
      tpu.enqueue_indirect_dma source(%arg18 : memref<80x128xf32, #tpu.memory_space<vmem>>) target(%dma_start3A_126 : memref<10240x128xf32, #tpu.memory_space<vmem_shared>>) offsets(%dma_start3A_123 : memref<80xi32, #tpu.memory_space<vmem>>) semaphore(%arg23 : memref<!tpu.dma_semaphore, #tpu.memory_space<semaphore_mem>>) {add = true}
      %dma_start3A_127 = arith.constant 15 : i32
      %dma_start3A_128 = arith.constant 0 : i32
      %dma_start3A_129 = tpu.memref_slice %arg14[%dma_start3A_127, %dma_start3A_128] : memref<16x80xi32, #tpu.memory_space<vmem>> -> memref<1x80xi32, #tpu.memory_space<vmem>>
      %dma_start3A_130 = tpu.memref_squeeze %dma_start3A_129 : memref<1x80xi32, #tpu.memory_space<vmem>> -> memref<80xi32, #tpu.memory_space<vmem>>
      %dma_start3A_131 = arith.constant 0 : i32
      %dma_start3A_132 = tpu.memref_slice %arg11[%dma_start3A_131] : memref<10240xf32, #tpu.memory_space<vmem_shared>> -> memref<10240xf32, #tpu.memory_space<vmem_shared>>
      tpu.enqueue_indirect_dma source(%arg19 : memref<80xf32, #tpu.memory_space<vmem>>) target(%dma_start3A_132 : memref<10240xf32, #tpu.memory_space<vmem_shared>>) offsets(%dma_start3A_130 : memref<80xi32, #tpu.memory_space<vmem>>) semaphore(%arg24 : memref<!tpu.dma_semaphore, #tpu.memory_space<semaphore_mem>>) {add = true}
      %dma_wait3A_133 = arith.constant 14 : i32
      %dma_wait3A_134 = arith.constant 0 : i32
      %dma_wait3A_135 = tpu.memref_slice %arg14[%dma_wait3A_133, %dma_wait3A_134] : memref<16x80xi32, #tpu.memory_space<vmem>> -> memref<1x80xi32, #tpu.memory_space<vmem>>
      %dma_wait3A_136 = tpu.memref_squeeze %dma_wait3A_135 : memref<1x80xi32, #tpu.memory_space<vmem>> -> memref<80xi32, #tpu.memory_space<vmem>>
      %dma_wait3A_137 = arith.constant 0 : i32
      %dma_wait3A_138 = arith.constant 0 : i32
      %dma_wait3A_139 = tpu.memref_slice %arg10[%dma_wait3A_137, %dma_wait3A_138] : memref<10240x128xf32, #tpu.memory_space<vmem_shared>> -> memref<10240x128xf32, #tpu.memory_space<vmem_shared>>
      tpu.wait_indirect_dma semaphore(%arg22 : memref<!tpu.dma_semaphore, #tpu.memory_space<semaphore_mem>>) src(%arg15 : memref<80x128xf32, #tpu.memory_space<vmem>>) dst(%dma_wait3A_139 : memref<10240x128xf32, #tpu.memory_space<vmem_shared>>)
      %dma_wait3A_140 = arith.constant 14 : i32
      %dma_wait3A_141 = arith.constant 0 : i32
      %dma_wait3A_142 = tpu.memref_slice %arg14[%dma_wait3A_140, %dma_wait3A_141] : memref<16x80xi32, #tpu.memory_space<vmem>> -> memref<1x80xi32, #tpu.memory_space<vmem>>
      %dma_wait3A_143 = tpu.memref_squeeze %dma_wait3A_142 : memref<1x80xi32, #tpu.memory_space<vmem>> -> memref<80xi32, #tpu.memory_space<vmem>>
      %dma_wait3A_144 = arith.constant 0 : i32
      %dma_wait3A_145 = arith.constant 0 : i32
      %dma_wait3A_146 = tpu.memref_slice %arg10[%dma_wait3A_144, %dma_wait3A_145] : memref<10240x128xf32, #tpu.memory_space<vmem_shared>> -> memref<10240x128xf32, #tpu.memory_space<vmem_shared>>
      tpu.wait_indirect_dma semaphore(%arg22 : memref<!tpu.dma_semaphore, #tpu.memory_space<semaphore_mem>>) src(%arg16 : memref<80x128xf32, #tpu.memory_space<vmem>>) dst(%dma_wait3A_146 : memref<10240x128xf32, #tpu.memory_space<vmem_shared>>)
      %dma_wait3A_147 = arith.constant 14 : i32
      %dma_wait3A_148 = arith.constant 0 : i32
      %dma_wait3A_149 = tpu.memref_slice %arg14[%dma_wait3A_147, %dma_wait3A_148] : memref<16x80xi32, #tpu.memory_space<vmem>> -> memref<1x80xi32, #tpu.memory_space<vmem>>
      %dma_wait3A_150 = tpu.memref_squeeze %dma_wait3A_149 : memref<1x80xi32, #tpu.memory_space<vmem>> -> memref<80xi32, #tpu.memory_space<vmem>>
      %dma_wait3A_151 = arith.constant 0 : i32
      %dma_wait3A_152 = tpu.memref_slice %arg11[%dma_wait3A_151] : memref<10240xf32, #tpu.memory_space<vmem_shared>> -> memref<10240xf32, #tpu.memory_space<vmem_shared>>
      tpu.wait_indirect_dma semaphore(%arg24 : memref<!tpu.dma_semaphore, #tpu.memory_space<semaphore_mem>>) src(%arg19 : memref<80xf32, #tpu.memory_space<vmem>>) dst(%dma_wait3A_152 : memref<10240xf32, #tpu.memory_space<vmem_shared>>)
      %dma_wait3A_153 = arith.constant 15 : i32
      %dma_wait3A_154 = arith.constant 0 : i32
      %dma_wait3A_155 = tpu.memref_slice %arg14[%dma_wait3A_153, %dma_wait3A_154] : memref<16x80xi32, #tpu.memory_space<vmem>> -> memref<1x80xi32, #tpu.memory_space<vmem>>
      %dma_wait3A_156 = tpu.memref_squeeze %dma_wait3A_155 : memref<1x80xi32, #tpu.memory_space<vmem>> -> memref<80xi32, #tpu.memory_space<vmem>>
      %dma_wait3A_157 = arith.constant 0 : i32
      %dma_wait3A_158 = arith.constant 0 : i32
      %dma_wait3A_159 = tpu.memref_slice %arg10[%dma_wait3A_157, %dma_wait3A_158] : memref<10240x128xf32, #tpu.memory_space<vmem_shared>> -> memref<10240x128xf32, #tpu.memory_space<vmem_shared>>
      tpu.wait_indirect_dma semaphore(%arg23 : memref<!tpu.dma_semaphore, #tpu.memory_space<semaphore_mem>>) src(%arg17 : memref<80x128xf32, #tpu.memory_space<vmem>>) dst(%dma_wait3A_159 : memref<10240x128xf32, #tpu.memory_space<vmem_shared>>)
      %dma_wait3A_160 = arith.constant 15 : i32
      %dma_wait3A_161 = arith.constant 0 : i32
      %dma_wait3A_162 = tpu.memref_slice %arg14[%dma_wait3A_160, %dma_wait3A_161] : memref<16x80xi32, #tpu.memory_space<vmem>> -> memref<1x80xi32, #tpu.memory_space<vmem>>
      %dma_wait3A_163 = tpu.memref_squeeze %dma_wait3A_162 : memref<1x80xi32, #tpu.memory_space<vmem>> -> memref<80xi32, #tpu.memory_space<vmem>>
      %dma_wait3A_164 = arith.constant 0 : i32
      %dma_wait3A_165 = arith.constant 0 : i32
      %dma_wait3A_166 = tpu.memref_slice %arg10[%dma_wait3A_164, %dma_wait3A_165] : memref<10240x128xf32, #tpu.memory_space<vmem_shared>> -> memref<10240x128xf32, #tpu.memory_space<vmem_shared>>
      tpu.wait_indirect_dma semaphore(%arg23 : memref<!tpu.dma_semaphore, #tpu.memory_space<semaphore_mem>>) src(%arg18 : memref<80x128xf32, #tpu.memory_space<vmem>>) dst(%dma_wait3A_166 : memref<10240x128xf32, #tpu.memory_space<vmem_shared>>)
      %dma_wait3A_167 = arith.constant 15 : i32
      %dma_wait3A_168 = arith.constant 0 : i32
      %dma_wait3A_169 = tpu.memref_slice %arg14[%dma_wait3A_167, %dma_wait3A_168] : memref<16x80xi32, #tpu.memory_space<vmem>> -> memref<1x80xi32, #tpu.memory_space<vmem>>
      %dma_wait3A_170 = tpu.memref_squeeze %dma_wait3A_169 : memref<1x80xi32, #tpu.memory_space<vmem>> -> memref<80xi32, #tpu.memory_space<vmem>>
      %dma_wait3A_171 = arith.constant 0 : i32
      %dma_wait3A_172 = tpu.memref_slice %arg11[%dma_wait3A_171] : memref<10240xf32, #tpu.memory_space<vmem_shared>> -> memref<10240xf32, #tpu.memory_space<vmem_shared>>
      tpu.wait_indirect_dma semaphore(%arg24 : memref<!tpu.dma_semaphore, #tpu.memory_space<semaphore_mem>>) src(%arg19 : memref<80xf32, #tpu.memory_space<vmem>>) dst(%dma_wait3A_172 : memref<10240xf32, #tpu.memory_space<vmem_shared>>)
    }
    %barrier3A = arith.constant 0 : index
    tpu.barrier barrier_id(%barrier3A)
    "tpu.region"() ({
      %run_scoped3A = tpu.sem_alloc : memref<!tpu.dma_semaphore, #tpu.memory_space<semaphore_mem>>
      %dma_start3A = arith.constant 0 : i32
      %dma_start3A_25 = tpu.memref_slice %arg8[%arg0, %mul3A_2, %dma_start3A] : memref<2x10240x128xf32, #tpu.memory_space<hbm>> -> memref<1x640x128xf32, #tpu.memory_space<hbm>>
      %dma_start3A_26 = tpu.memref_squeeze %dma_start3A_25 : memref<1x640x128xf32, #tpu.memory_space<hbm>> -> memref<640x128xf32, #tpu.memory_space<hbm>>
      %dma_start3A_27 = arith.constant 0 : i32
      %dma_start3A_28 = tpu.memref_slice %arg10[%mul3A_2, %dma_start3A_27] : memref<10240x128xf32, #tpu.memory_space<vmem_shared>> -> memref<640x128xf32, #tpu.memory_space<vmem_shared>>
      tpu.enqueue_dma source(%dma_start3A_28 : memref<640x128xf32, #tpu.memory_space<vmem_shared>>) target(%dma_start3A_26 : memref<640x128xf32, #tpu.memory_space<hbm>>) target_semaphore(%run_scoped3A : memref<!tpu.dma_semaphore, #tpu.memory_space<semaphore_mem>>)
      %dma_wait3A = arith.constant 0 : i32
      %dma_wait3A_29 = tpu.memref_slice %arg8[%arg0, %mul3A_2, %dma_wait3A] : memref<2x10240x128xf32, #tpu.memory_space<hbm>> -> memref<1x640x128xf32, #tpu.memory_space<hbm>>
      %dma_wait3A_30 = tpu.memref_squeeze %dma_wait3A_29 : memref<1x640x128xf32, #tpu.memory_space<hbm>> -> memref<640x128xf32, #tpu.memory_space<hbm>>
      %dma_wait3A_31 = arith.constant 0 : i32
      %dma_wait3A_32 = tpu.memref_slice %arg10[%mul3A_2, %dma_wait3A_31] : memref<10240x128xf32, #tpu.memory_space<vmem_shared>> -> memref<640x128xf32, #tpu.memory_space<vmem_shared>>
      tpu.wait_dma2 semaphore(%run_scoped3A : memref<!tpu.dma_semaphore, #tpu.memory_space<semaphore_mem>>) src(%dma_wait3A_32 : memref<640x128xf32, #tpu.memory_space<vmem_shared>>) dst(%dma_wait3A_30 : memref<640x128xf32, #tpu.memory_space<hbm>>)
      tpu.yield
    }) : () -> ()
    "tpu.region"() ({
      %run_scoped3A = tpu.sem_alloc : memref<!tpu.dma_semaphore, #tpu.memory_space<semaphore_mem>>
      %dma_start3A = tpu.memref_slice %arg9[%arg0, %mul3A_2] : memref<2x10240xf32, #tpu.memory_space<hbm>> -> memref<1x640xf32, #tpu.memory_space<hbm>>
      %dma_start3A_25 = tpu.memref_squeeze %dma_start3A : memref<1x640xf32, #tpu.memory_space<hbm>> -> memref<640xf32, #tpu.memory_space<hbm>>
      %dma_start3A_26 = tpu.memref_slice %arg11[%mul3A_2] : memref<10240xf32, #tpu.memory_space<vmem_shared>> -> memref<640xf32, #tpu.memory_space<vmem_shared>>
      tpu.enqueue_dma source(%dma_start3A_26 : memref<640xf32, #tpu.memory_space<vmem_shared>>) target(%dma_start3A_25 : memref<640xf32, #tpu.memory_space<hbm>>) target_semaphore(%run_scoped3A : memref<!tpu.dma_semaphore, #tpu.memory_space<semaphore_mem>>)
      %dma_wait3A = tpu.memref_slice %arg9[%arg0, %mul3A_2] : memref<2x10240xf32, #tpu.memory_space<hbm>> -> memref<1x640xf32, #tpu.memory_space<hbm>>
      %dma_wait3A_27 = tpu.memref_squeeze %dma_wait3A : memref<1x640xf32, #tpu.memory_space<hbm>> -> memref<640xf32, #tpu.memory_space<hbm>>
      %dma_wait3A_28 = tpu.memref_slice %arg11[%mul3A_2] : memref<10240xf32, #tpu.memory_space<vmem_shared>> -> memref<640xf32, #tpu.memory_space<vmem_shared>>
      tpu.wait_dma2 semaphore(%run_scoped3A : memref<!tpu.dma_semaphore, #tpu.memory_space<semaphore_mem>>) src(%dma_wait3A_28 : memref<640xf32, #tpu.memory_space<vmem_shared>>) dst(%dma_wait3A_27 : memref<640xf32, #tpu.memory_space<hbm>>)
      tpu.yield
    }) : () -> ()
    return
  }
}

module attributes {stable_mosaic.version = 14 : i64} {
  func.func @_pre_body(%arg0: i32, %arg1: memref<2000x300xf32, #tpu.memory_space<vmem>>, %arg2: memref<300x128xf32, #tpu.memory_space<vmem>>, %arg3: memref<1x128xf32, #tpu.memory_space<vmem>>, %arg4: memref<128x128xf32, #tpu.memory_space<vmem>>, %arg5: memref<500x128xf32, #tpu.memory_space<vmem>>, %arg6: memref<2000x128xf32, #tpu.memory_space<vmem>>, %arg7: memref<2000x128xf32, #tpu.memory_space<vmem>>, %arg8: memref<500x128xf32, #tpu.memory_space<vmem>>) attributes {dimension_semantics = [#tpu.dimension_semantics<arbitrary>], iteration_bounds = array<i64: 5>, scalar_prefetch = 0 : i64, scratch_operands = 0 : i64, tpu.core_type = #tpu.core_type<tc>, window_params = [{transform_indices = @transform_0, window_bounds = array<i64: 2000, 300>}, {pipeline_mode = #tpu.pipeline_mode<synchronous>, transform_indices = @transform_1, window_bounds = array<i64: 300, 128>}, {pipeline_mode = #tpu.pipeline_mode<synchronous>, transform_indices = @transform_2, window_bounds = array<i64: 1, 128>}, {pipeline_mode = #tpu.pipeline_mode<synchronous>, transform_indices = @transform_3, window_bounds = array<i64: 128, 128>}, {pipeline_mode = #tpu.pipeline_mode<synchronous>, transform_indices = @transform_4, window_bounds = array<i64: 500, 128>}, {transform_indices = @transform_5, window_bounds = array<i64: 2000, 128>}, {transform_indices = @transform_6, window_bounds = array<i64: 2000, 128>}, {pipeline_mode = #tpu.pipeline_mode<synchronous>, transform_indices = @transform_7, window_bounds = array<i64: 500, 128>}]} {
    %get3A = arith.constant 0 : index
    %get3A_0 = arith.constant 0 : index
    %get3A_1 = vector.load %arg4[%get3A, %get3A_0] : memref<128x128xf32, #tpu.memory_space<vmem>>, vector<128x128xf32>
    %convert_element_type3A = arith.truncf %get3A_1 : vector<128x128xf32> to vector<128x128xbf16>
    %get3A_2 = arith.constant 0 : index
    %get3A_3 = arith.constant 0 : index
    %get3A_4 = vector.load %arg1[%get3A_2, %get3A_3] : memref<2000x300xf32, #tpu.memory_space<vmem>>, vector<2000x300xf32>
    %convert_element_type3A_5 = arith.truncf %get3A_4 : vector<2000x300xf32> to vector<2000x300xbf16>
    %get3A_6 = arith.constant 0 : index
    %get3A_7 = arith.constant 0 : index
    %get3A_8 = vector.load %arg2[%get3A_6, %get3A_7] : memref<300x128xf32, #tpu.memory_space<vmem>>, vector<300x128xf32>
    %convert_element_type3A_9 = arith.truncf %get3A_8 : vector<300x128xf32> to vector<300x128xbf16>
    %dot_general3A = arith.constant dense<0.000000e+00> : vector<2000x128xf32>
    %dot_general3A_10 = tpu.matmul %convert_element_type3A_5, %convert_element_type3A_9, %dot_general3A {dimension_numbers = #tpu.dot_dimension_numbers<[1], [0], [0], [1], [0, 0, 1, 1], [], []>, transpose_lhs_hint = false} : vector<2000x300xbf16>, vector<300x128xbf16>, vector<2000x128xf32> -> vector<2000x128xf32>
    %get3A_11 = arith.constant 0 : index
    %get3A_12 = arith.constant 0 : index
    %get3A_13 = vector.load %arg3[%get3A_11, %get3A_12] : memref<1x128xf32, #tpu.memory_space<vmem>>, vector<1x128xf32>
    %add3A = vector.broadcast %get3A_13 : vector<1x128xf32> to vector<2000x128xf32>
    %add3A_14 = arith.addf %dot_general3A_10, %add3A : vector<2000x128xf32>
    %swap3A = arith.constant 0 : index
    %swap3A_15 = arith.constant 0 : index
    %swap3A_16 = vector.load %arg6[%swap3A, %swap3A_15] : memref<2000x128xf32, #tpu.memory_space<vmem>>, vector<2000x128xf32>
    tpu.vector_store %arg6[%swap3A, %swap3A_15], %add3A_14 {strides = array<i32>} : memref<2000x128xf32, #tpu.memory_space<vmem>>, vector<2000x128xf32>,
    %convert_element_type3A_17 = arith.truncf %add3A_14 : vector<2000x128xf32> to vector<2000x128xbf16>
    %dot_general3A_18 = arith.constant dense<0.000000e+00> : vector<2000x128xf32>
    %dot_general3A_19 = tpu.matmul %convert_element_type3A_17, %convert_element_type3A, %dot_general3A_18 {dimension_numbers = #tpu.dot_dimension_numbers<[1], [0], [0], [1], [0, 0, 1, 1], [], []>, transpose_lhs_hint = false} : vector<2000x128xbf16>, vector<128x128xbf16>, vector<2000x128xf32> -> vector<2000x128xf32>
    %swap3A_20 = arith.constant 0 : index
    %swap3A_21 = arith.constant 0 : index
    %swap3A_22 = vector.load %arg7[%swap3A_20, %swap3A_21] : memref<2000x128xf32, #tpu.memory_space<vmem>>, vector<2000x128xf32>
    tpu.vector_store %arg7[%swap3A_20, %swap3A_21], %dot_general3A_19 {strides = array<i32>} : memref<2000x128xf32, #tpu.memory_space<vmem>>, vector<2000x128xf32>,
    %eq3A = arith.constant 0 : i32
    %eq3A_23 = arith.cmpi eq, %arg0, %eq3A : i32
    %convert_element_type3A_24 = arith.extui %eq3A_23 : i1 to i32
    %cond3A = arith.constant 0 : i32
    %cond3A_25 = arith.cmpi ne, %convert_element_type3A_24, %cond3A : i32
    scf.if %cond3A_25 {
      %get3A_26 = arith.constant 0 : index
      %get3A_27 = arith.constant 0 : index
      %get3A_28 = vector.load %arg5[%get3A_26, %get3A_27] : memref<500x128xf32, #tpu.memory_space<vmem>>, vector<500x128xf32>
      %convert_element_type3A_29 = arith.truncf %get3A_28 : vector<500x128xf32> to vector<500x128xbf16>
      %dot_general3A_30 = arith.constant dense<0.000000e+00> : vector<500x128xf32>
      %dot_general3A_31 = tpu.matmul %convert_element_type3A_29, %convert_element_type3A, %dot_general3A_30 {dimension_numbers = #tpu.dot_dimension_numbers<[1], [0], [0], [1], [0, 0, 1, 1], [], []>, transpose_lhs_hint = false} : vector<500x128xbf16>, vector<128x128xbf16>, vector<500x128xf32> -> vector<500x128xf32>
      %swap3A_32 = arith.constant 0 : index
      %swap3A_33 = arith.constant 0 : index
      %swap3A_34 = vector.load %arg8[%swap3A_32, %swap3A_33] : memref<500x128xf32, #tpu.memory_space<vmem>>, vector<500x128xf32>
      tpu.vector_store %arg8[%swap3A_32, %swap3A_33], %dot_general3A_31 {strides = array<i32>} : memref<500x128xf32, #tpu.memory_space<vmem>>, vector<500x128xf32>,
    } else {
    }
    return
  }
  func.func @transform_0(%arg0: i32) -> (i32, i32) {
    %c0_i32 = arith.constant 0 : i32
    %c0_i32_0 = arith.constant 0 : i32
    return %arg0, %c0_i32 : i32, i32
  }
  func.func @transform_1(%arg0: i32) -> (i32, i32) {
    %c0_i32 = arith.constant 0 : i32
    %c0_i32_0 = arith.constant 0 : i32
    %c0_i32_1 = arith.constant 0 : i32
    return %c0_i32, %c0_i32_0 : i32, i32
  }
  func.func @transform_2(%arg0: i32) -> (i32, i32) {
    %c0_i32 = arith.constant 0 : i32
    %c0_i32_0 = arith.constant 0 : i32
    %c0_i32_1 = arith.constant 0 : i32
    return %c0_i32, %c0_i32_0 : i32, i32
  }
  func.func @transform_3(%arg0: i32) -> (i32, i32) {
    %c0_i32 = arith.constant 0 : i32
    %c0_i32_0 = arith.constant 0 : i32
    %c0_i32_1 = arith.constant 0 : i32
    return %c0_i32, %c0_i32_0 : i32, i32
  }
  func.func @transform_4(%arg0: i32) -> (i32, i32) {
    %c0_i32 = arith.constant 0 : i32
    %c0_i32_0 = arith.constant 0 : i32
    %c0_i32_1 = arith.constant 0 : i32
    return %c0_i32, %c0_i32_0 : i32, i32
  }
  func.func @transform_5(%arg0: i32) -> (i32, i32) {
    %c0_i32 = arith.constant 0 : i32
    %c0_i32_0 = arith.constant 0 : i32
    return %arg0, %c0_i32 : i32, i32
  }
  func.func @transform_6(%arg0: i32) -> (i32, i32) {
    %c0_i32 = arith.constant 0 : i32
    %c0_i32_0 = arith.constant 0 : i32
    return %arg0, %c0_i32 : i32, i32
  }
  func.func @transform_7(%arg0: i32) -> (i32, i32) {
    %c0_i32 = arith.constant 0 : i32
    %c0_i32_0 = arith.constant 0 : i32
    %c0_i32_1 = arith.constant 0 : i32
    return %c0_i32, %c0_i32_0 : i32, i32
  }
}

module attributes {stable_mosaic.version = 14 : i64} {
  func.func @_mix_body(%arg0: i32, %arg1: memref<2000x128xf32, #tpu.memory_space<vmem>>, %arg2: memref<2x2000x128xf32, #tpu.memory_space<vmem>>, %arg3: memref<2x2000x1xf32, #tpu.memory_space<vmem>>, %arg4: memref<1x1xf32, #tpu.memory_space<vmem>>, %arg5: memref<2000x128xf32, #tpu.memory_space<vmem>>) attributes {dimension_semantics = [#tpu.dimension_semantics<arbitrary>], iteration_bounds = array<i64: 5>, scalar_prefetch = 0 : i64, scratch_operands = 0 : i64, tpu.core_type = #tpu.core_type<tc>, window_params = [{transform_indices = @transform_0, window_bounds = array<i64: 2000, 128>}, {transform_indices = @transform_1, window_bounds = array<i64: 2, 2000, 128>}, {transform_indices = @transform_2, window_bounds = array<i64: 2, 2000, 1>}, {pipeline_mode = #tpu.pipeline_mode<synchronous>, transform_indices = @transform_3, window_bounds = array<i64: 1, 1>}, {transform_indices = @transform_4, window_bounds = array<i64: 2000, 128>}]} {
    %get3A = arith.constant 0 : index
    %get3A_0 = arith.constant 0 : index
    %get3A_1 = vector.load %arg4[%get3A, %get3A_0] : memref<1x1xf32, #tpu.memory_space<vmem>>, vector<1x1xf32>
    %get3A_2 = vector.extract %get3A_1[0, 0] : f32 from vector<1x1xf32>
    %logistic3A = arith.negf %get3A_2 : f32
    %logistic3A_3 = math.exp %logistic3A : f32
    %logistic3A_4 = arith.constant 1.000000e+00 : f32
    %logistic3A_5 = arith.addf %logistic3A_4, %logistic3A_3 : f32
    %logistic3A_6 = arith.divf %logistic3A_4, %logistic3A_5 : f32
    %get3A_7 = arith.constant 0 : index
    %get3A_8 = arith.constant 0 : index
    %get3A_9 = arith.constant 0 : index
    %get3A_10 = vector.load %arg2[%get3A_7, %get3A_8, %get3A_9] : memref<2x2000x128xf32, #tpu.memory_space<vmem>>, vector<1x2000x128xf32>
    %get3A_11 = vector.shape_cast %get3A_10 : vector<1x2000x128xf32> to vector<2000x128xf32>
    %get3A_12 = arith.constant 1 : index
    %get3A_13 = arith.constant 0 : index
    %get3A_14 = arith.constant 0 : index
    %get3A_15 = vector.load %arg2[%get3A_12, %get3A_13, %get3A_14] : memref<2x2000x128xf32, #tpu.memory_space<vmem>>, vector<1x2000x128xf32>
    %get3A_16 = vector.shape_cast %get3A_15 : vector<1x2000x128xf32> to vector<2000x128xf32>
    %add3A = arith.addf %get3A_11, %get3A_16 : vector<2000x128xf32>
    %get3A_17 = arith.constant 0 : index
    %get3A_18 = arith.constant 0 : index
    %get3A_19 = arith.constant 0 : index
    %get3A_20 = vector.load %arg3[%get3A_17, %get3A_18, %get3A_19] : memref<2x2000x1xf32, #tpu.memory_space<vmem>>, vector<1x2000x1xf32>
    %get3A_21 = vector.shape_cast %get3A_20 : vector<1x2000x1xf32> to vector<2000x1xf32>
    %get3A_22 = arith.constant 1 : index
    %get3A_23 = arith.constant 0 : index
    %get3A_24 = arith.constant 0 : index
    %get3A_25 = vector.load %arg3[%get3A_22, %get3A_23, %get3A_24] : memref<2x2000x1xf32, #tpu.memory_space<vmem>>, vector<1x2000x1xf32>
    %get3A_26 = vector.shape_cast %get3A_25 : vector<1x2000x1xf32> to vector<2000x1xf32>
    %add3A_27 = arith.addf %get3A_21, %get3A_26 : vector<2000x1xf32>
    %max3A = arith.constant 1.000000e+00 : f32
    %max3A_28 = vector.broadcast %max3A : f32 to vector<2000x1xf32>
    %max3A_29 = arith.maximumf %add3A_27, %max3A_28 : vector<2000x1xf32>
    %div3A = vector.broadcast %max3A_29 : vector<2000x1xf32> to vector<2000x128xf32>
    %div3A_30 = arith.divf %add3A, %div3A : vector<2000x128xf32>
    %get3A_31 = arith.constant 0 : index
    %get3A_32 = arith.constant 0 : index
    %get3A_33 = vector.load %arg1[%get3A_31, %get3A_32] : memref<2000x128xf32, #tpu.memory_space<vmem>>, vector<2000x128xf32>
    %mul3A = vector.broadcast %logistic3A_6 : f32 to vector<2000x128xf32>
    %mul3A_34 = arith.mulf %mul3A, %get3A_33 : vector<2000x128xf32>
    %sub3A = arith.constant 1.000000e+00 : f32
    %sub3A_35 = arith.subf %sub3A, %logistic3A_6 : f32
    %max3A_36 = arith.constant 0.000000e+00 : f32
    %max3A_37 = vector.broadcast %max3A_36 : f32 to vector<2000x128xf32>
    %max3A_38 = arith.maximumf %div3A_30, %max3A_37 : vector<2000x128xf32>
    %mul3A_39 = vector.broadcast %sub3A_35 : f32 to vector<2000x128xf32>
    %mul3A_40 = arith.mulf %mul3A_39, %max3A_38 : vector<2000x128xf32>
    %add3A_41 = arith.addf %mul3A_34, %mul3A_40 : vector<2000x128xf32>
    %swap3A = arith.constant 0 : index
    %swap3A_42 = arith.constant 0 : index
    %swap3A_43 = vector.load %arg5[%swap3A, %swap3A_42] : memref<2000x128xf32, #tpu.memory_space<vmem>>, vector<2000x128xf32>
    tpu.vector_store %arg5[%swap3A, %swap3A_42], %add3A_41 {strides = array<i32>} : memref<2000x128xf32, #tpu.memory_space<vmem>>, vector<2000x128xf32>,
    return
  }
  func.func @transform_0(%arg0: i32) -> (i32, i32) {
    %c0_i32 = arith.constant 0 : i32
    %c0_i32_0 = arith.constant 0 : i32
    return %arg0, %c0_i32 : i32, i32
  }
  func.func @transform_1(%arg0: i32) -> (i32, i32, i32) {
    %c0_i32 = arith.constant 0 : i32
    %c0_i32_0 = arith.constant 0 : i32
    %c0_i32_1 = arith.constant 0 : i32
    return %c0_i32, %arg0, %c0_i32_0 : i32, i32, i32
  }
  func.func @transform_2(%arg0: i32) -> (i32, i32, i32) {
    %c0_i32 = arith.constant 0 : i32
    %c0_i32_0 = arith.constant 0 : i32
    %c0_i32_1 = arith.constant 0 : i32
    return %c0_i32, %arg0, %c0_i32_0 : i32, i32, i32
  }
  func.func @transform_3(%arg0: i32) -> (i32, i32) {
    %c0_i32 = arith.constant 0 : i32
    %c0_i32_0 = arith.constant 0 : i32
    %c0_i32_1 = arith.constant 0 : i32
    return %c0_i32, %c0_i32_0 : i32, i32
  }
  func.func @transform_4(%arg0: i32) -> (i32, i32) {
    %c0_i32 = arith.constant 0 : i32
    %c0_i32_0 = arith.constant 0 : i32
    return %arg0, %c0_i32 : i32, i32
  }
}

</mosaic_0001>

<sc_bundles>
// kernel: kernel.5.cloned.1.call-start
scs
__scs_entry_jumppad:
0x0: {  	(pc) =	sbr.rel $0x88, $3  }
0x1: {  	(tag) =	ssettag $0x0;
	lr =	simm.s32 $0x1  }
0x2: {  	[smem:$0x3F99] =	sst lr;
	_ =	strace $0xD0000000  }
0x3: {  	_ = 	snop  }
0x4: {  	_ = 	snop  }
0x5: {  	_ = 	snop  }
0x6: {  	_ = 	snop  }
0x7: {  	_ = 	snop  }
__scs_overlays_trampoline_lowered:
0x8: {  	[smem:$0x3FA8] =	sst s0  }
0x9: {  	[smem:$0x3FA9] =	sst s1  }
0xa: {  	[smem:$0x3FAA] =	sst s2  }
0xb: {  	[smem:$0x3FAB] =	sst s3  }
0xc: {  	[smem:$0x3FAC] =	sst s4  }
0xd: {  	[smem:$0x3FAD] =	sst s5  }
0xe: {  	[smem:$0x3FAE] =	sst s6  }
0xf: {  	[smem:$0x3FAF] =	sst s7  }
0x10: {  	[smem:$0x3FB0] =	sst s8  }
0x11: {  	[smem:$0x3FB1] =	sst s9;
	s0 =	simm.s32 @!p0 $0x0  }
0x12: {  	s1 =	sld [smem:$0x3F97];
	s0 =	simm.s32 @p0 $0x1  }
0x13: {  	[smem:$0x3FB2] =	sst s0;
	s0 =	simm.s32 @!p1 $0x0  }
0x14: {  	s2 =	sld [smem:$0x3F96];
	s0 =	simm.s32 @p1 $0x1  }
0x15: {  	[smem:$0x3FB3] =	sst s0;
	s0 =	simm.s32 @!p2 $0x0  }
0x16: {  	s3 =	sld [smem:$0x3FDB];
	s0 =	simm.s32 @p2 $0x1  }
0x17: {  	s4 =	simm.s32 $0x1BF5;
	[smem:$0x3FB5] =	sst s0  }
0x18: {  	s0 =	sld [smem:$0x3F98];
	_ =	swait.ge [sflag:s4], $0x0  }
0x19: {  	s7 =	sld [smem:$0x3F99]  }
0x1a: {  	s8 =	sadd.s32 $0xFFFFE003, lr  }
0x1b: {  	s9 =	sadd.s32 $0xFFFFFEF7, lr;
	s5 =	simm.s32 $0xFFFFFFFF;
	p2 =	slt.u32 s8, $0xFFFFF086  }
0x1c: {  	p1 =	slt.u32 s9, $0xF7A;
	s5 =	simm.s32 @!p2 $0x0  }
0x1d: {  	s5 =	simm.s32 @p1 $0x1;
	p0 =	seq.s32 s7, s2  }
0x1e: {  	s7 =	smul.u32 @!p0 $0xF7A, s2;
	p2 =	seq.s32 @!p0 s5, $0x0  }
0x1f: {  	s9 =	smul.u32 $0xF7A, s1;
	s8 =	simm.s32 @!p0 $0x1BF5;
	p2 =	por !p2, p0  }
0x20: {  	[sflag:s8] =	ssyncset.s32 @!p0 $0xFFFFF086;
	s6 =	sadd.s32 @!p0 s3, s7;
	s7 =	simm.s32 @!p0 $0x108  }
0x21: {  	s3 =	sadd.s32 s3, s9;
	s6 =	sadd.s32 @!p0 $0x88, s6;
	s7 =	simm.s32 @p2 $0x1082  }
0x22: {  	[simem:s7], [sflag:s8] =	dma.local @!p0 [hbm:s6], $0xF7A  }
0x23: {  	s9 =	sor.u32 $0xD0000000, s2;
	s6 =	simm.s32 $0x108;
	_ =	swait.ge @!p0 [sflag:s8], $0x0  }
0x24: {  	s3 =	sadd.s32 $0x88, s3;
	s6 =	simm.s32 @!p1 $0x1082;
	[sflag:s4] =	ssyncset.s32 $0xFFFFF086  }
0x25: {  	[simem:s6], [sflag:s4] =	dma.local [hbm:s3], $0xF7A  }
0x26: {  	[smem:$0x3F99] =	sst s1;
	(tag) =	ssettag s2;
	_ =	strace s9  }
0x27: {  	s1 =	sld [smem:$0x3FA9]  }
0x28: {  	s2 =	sld [smem:$0x3FAA]  }
0x29: {  	s4 =	sld [smem:$0x3FAC]  }
0x2a: {  	p0 =	seq.s32 s5, $0x0;
	s5 =	sld [smem:$0x3FAD]  }
0x2b: {  	s6 =	sld [smem:$0x3FAE]  }
0x2c: {  	s7 =	sld [smem:$0x3FAF]  }
0x2d: {  	s3 =	simm.s32 $0x108;
	s8 =	sld [smem:$0x3FB0]  }
0x2e: {  	s3 =	simm.s32 @!p0 $0x1082;
	s9 =	sld [smem:$0x3FB1]  }
0x2f: {  	lr =	sadd.s32 s0, s3;
	s0 =	sld [smem:$0x3FA8]  }
0x30: {  	s3 =	sld [smem:$0x3FAB]  }
0x31: {  	[smem:$0x3FB4] =	sst s10  }
0x32: {  	s10 =	sld [smem:$0x3FB2];
	_ =	sdelay $0x3  }
0x33: {  	p0 =	seq.s32 s10, $0x1;
	s10 =	sld [smem:$0x3FB4];
	_ =	sdelay $0x3  }
0x34: {  	[smem:$0x3FB4] =	sst s10  }
0x35: {  	s10 =	sld [smem:$0x3FB3];
	_ =	sdelay $0x3  }
0x36: {  	p1 =	seq.s32 s10, $0x1;
	s10 =	sld [smem:$0x3FB4];
	_ =	sdelay $0x3  }
0x37: {  	[smem:$0x3FB4] =	sst s10  }
0x38: {  	s10 =	sld [smem:$0x3FB5]  }
0x39: {  	_ = 	snop;
	(pc) =	sbr.ind lr, $3  }
0x3a: {  	_ = 	snop  }
0x3b: {  	_ = 	snop  }
0x3c: {  	p2 =	seq.s32 s10, $0x1;
	s10 =	sld [smem:$0x3FB4]  }
0x3d: {  	_ =	shalt  }
0x3e: {  	_ =	shalt  }
0x3f: {  	_ =	shalt  }
0x40: {  	_ =	shalt  }
0x41: {  	_ =	shalt  }
0x42: {  	_ =	shalt  }
0x43: {  	_ =	shalt  }
0x44: {  	_ =	shalt  }
0x45: {  	_ =	shalt  }
0x46: {  	_ =	shalt  }
0x47: {  	_ =	shalt  }
0x48: {  	_ =	shalt  }
0x49: {  	_ =	shalt  }
0x4a: {  	_ =	shalt  }
0x4b: {  	_ =	shalt  }
0x4c: {  	_ =	shalt  }
0x4d: {  	_ =	shalt  }
0x4e: {  	_ =	shalt  }
0x4f: {  	_ =	shalt  }
0x50: {  	_ =	shalt  }
0x51: {  	_ =	shalt  }
0x52: {  	_ =	shalt  }
0x53: {  	_ =	shalt  }
0x54: {  	_ =	shalt  }
0x55: {  	_ =	shalt  }
0x56: {  	_ =	shalt  }
0x57: {  	_ =	shalt  }
0x58: {  	_ =	shalt  }
0x59: {  	_ =	shalt  }
0x5a: {  	_ =	shalt  }
0x5b: {  	_ =	shalt  }
0x5c: {  	_ =	shalt  }
0x5d: {  	_ =	shalt  }
0x5e: {  	_ =	shalt  }
0x5f: {  	_ =	shalt  }
0x60: {  	_ =	shalt  }
0x61: {  	_ =	shalt  }
0x62: {  	_ =	shalt  }
0x63: {  	_ =	shalt  }
0x64: {  	_ =	shalt  }
0x65: {  	_ =	shalt  }
0x66: {  	_ =	shalt  }
0x67: {  	_ =	shalt  }
0x68: {  	_ =	shalt  }
0x69: {  	_ =	shalt  }
0x6a: {  	_ =	shalt  }
0x6b: {  	_ =	shalt  }
0x6c: {  	_ =	shalt  }
0x6d: {  	_ =	shalt  }
0x6e: {  	_ =	shalt  }
0x6f: {  	_ =	shalt  }
0x70: {  	_ =	shalt  }
0x71: {  	_ =	shalt  }
0x72: {  	_ =	shalt  }
0x73: {  	_ =	shalt  }
0x74: {  	_ =	shalt  }
0x75: {  	_ =	shalt  }
0x76: {  	_ =	shalt  }
0x77: {  	_ =	shalt  }
0x78: {  	_ =	shalt  }
0x79: {  	_ =	shalt  }
0x7a: {  	_ =	shalt  }
0x7b: {  	_ =	shalt  }
0x7c: {  	_ =	shalt  }
0x7d: {  	_ =	shalt  }
0x7e: {  	_ =	shalt  }
0x7f: {  	_ =	shalt  }
0x80: {  	_ =	shalt  }
0x81: {  	_ =	shalt  }
0x82: {  	_ =	shalt  }
0x83: {  	_ =	shalt  }
0x84: {  	_ =	shalt  }
0x85: {  	_ =	shalt  }
0x86: {  	_ =	shalt  }
0x87: {  	_ =	shalt  }
.Lfunc_end0:
.L_simem_size_0:
called_computation_lowered:
.L_overlay_start_0:
0x88: {  	s2 =	sld [smem:$0x3FD9]  }
0x89: {  	s3 =	sld [smem:$0x3FFE];
	_ =	sdelay $0x1  }
0x8a: {  	s1 =	srdreg.scid  }
0x8b: {  	s0 =	sand.u32 $0x1, s1  }
0x8c: {  	s17 =	sshll.u32 s0, $0xA;
	s2 =	sadd.s32 s3, s2  }
0x8d: {  	s2 =	sadd.s32 s2, s17  }
0x8e: {  	[smem:$0x3FC0] =	sst s2  }
0x8f: {  	_ = 	snop  }
0x90: {  	s2 =	sld [smem:$0x3FD0];
	(tm) =	ssettm $0x1  }
0x91: {  	s18 =	sld [smem:$0x3FFB];
	_ =	sdelay $0x3  }
0x92: {  	_ =	strace s18  }
0x93: {  	s3 =	sld [smem:$0x3FFC];
	_ =	sdelay $0x3  }
0x94: {  	_ =	strace s3  }
0x95: {  	s3 =	sld [smem:$0x3FFD];
	_ =	sdelay $0x3  }
0x96: {  	_ =	strace s3  }
0x97: {  	_ =	strace $0x8FFFFFFF  }
0x98: {  	s19 =	sld [smem:$0x3FDB];
	_ =	sdelay $0x1  }
0x99: {  	s4 =	simm.s32 $_scs_section_size  }
0x9a: {  	s5 =	simm.s32 $_size__tile_overlayer_lowered;
	s6 =	simm.s32 $_tile_overlayer_lowered  }
0x9b: {  	s22 =	simm.s32 $0x1BFF;
	s21 =	sshll.u32 s6, $0x1;
	s3 =	sadd.s32 s4, s19  }
0x9c: {  	s7 =	simm.s32 $0x0;
	s20 =	sshll.u32 s5, $0x1;
	s5 =	sadd.s32 s21, s3  }
0x9d: {  	[timem:s7], [sflag:s22] =	dma.local [hbm:s5], s20  }
0x9e: {  	_ =	swait.ge [sflag:s22], s20  }
0x9f: {  	s4 =	ssub.s32 $0x0, s20;
	[sflag:s22] =	ssyncset.done $0x0  }
0xa0: {  	[sflag:s22] =	ssyncadd.s32 s4;
	_ =	sdelay $0x1  }
0xa1: {  	s23 =	simm.s32 $0x1B8B  }
0xa2: {  	_ =	swait.ge [sflag:s23], $0x1  }
0xa3: {  	[sflag:s23] =	ssyncset.done $0x0  }
0xa4: {  	s25 =	simm.s32 $0x1B8E;
	s24 =	sld [smem:$0x3FFE];
	[sflag:s23] =	ssyncadd.s32 $0xFFFFFFFF  }
0xa5: {  	s26 =	simm.s32 $execute0_lowered;
	[smem:$0x3FD2] =	sst s25  }
0xa6: {  	s5 =	sshll.u32 s26, $0x1;
	_ =	strace $0x80000046;
	[dreg:$0x1] =	wrdreg $0xFFFFFFFF  }
0xa7: {  	s28 =	simm.s32 $_size_execute0_lowered;
	s3 =	sadd.s32 s3, s5;
	[dreg:$0x0] =	wrdreg $0x0  }
0xa8: {  	s5 =	sshll.u32 s28, $0x1;
	[dreg:$0x2] =	wrdreg s3  }
0xa9: {  	[dreg:$0x3] =	wrdreg s5  }
0xaa: {  	[dreg:$0x4] =	wrdreg $0xC0  }
0xab: {  	_ =	task [dreg:s7], $0x5FFFF  }
0xac: {  	[dreg:$0x1] =	wrdreg $0xFFFFFFFF  }
0xad: {  	[dreg:$0x0] =	wrdreg $0x60  }
0xae: {  	[dreg:$0x2] =	wrdreg s2  }
0xaf: {  	[dreg:$0x3] =	wrdreg s24  }
0xb0: {  	[dreg:$0x4] =	wrdreg $0x0  }
0xb1: {  	[dreg:$0x5] =	wrdreg $0x140000  }
0xb2: {  	[dreg:$0x6] =	wrdreg $0x9  }
0xb3: {  	_ =	task.clear_ibuf [dreg:s7], $0x7FFFF;
	_ =	strace $0x90000046  }
0xb4: {  	s29 =	simm.s32 $0x9;
	_ =	strace $0x80000048  }
0xb5: {  	_ =	swait.ge [sflag:s29], $0x1  }
0xb6: {  	[sflag:s29] =	ssyncadd.s32 $0xFFFFFFFF  }
0xb7: {  	_ =	strace $0x90000048  }
0xb8: {  	_ =	sfence  }
0xb9: {  	s30 =	sld [smem:$0x0];
	_ =	sdelay $0x2  }
0xba: {  	s31 =	sshll.u32 s1, $0xD;
	s1 =	sshrl.u32 s1, $0x2  }
0xbb: {  	s3 =	sand.u32 $0x4000, s31;
	s1 =	sadd.s32 s1, s30  }
0xbc: {  	s0 =	sor.u32 s3, s0;
	s1 =	sshll.u32 s1, $0x11  }
0xbd: {  	s0 =	sor.u32 s1, s0  }
0xbe: {  	s0 =	sadd.s32 $0x8F2B, s0  }
0xbf: {  	[sflag:s0] =	ssyncadd.remote.s32 $0x1  }
0xc0: {  	_ =	sfence.sel $0xFFFF  }
0xc1: {  	[dreg:$0x0] =	wrdreg $0xFFFFFFFF;
	(pc) =	sbr.abs _section_cstart, $3  }
0xc2: {  	[dreg:$0x1] =	wrdreg $0xFFFFFFFF  }
0xc3: {  	_ =	task.clear_ibuf [dreg:s7], $0x2FFFF;
	_ =	strace $0x9FFFFFFF  }
0xc4: {  	(tm) =	ssettm $0x7FFFFFFF  }
0xc5: {  	_ =	shalt  }
tec
execute0_lowered:
.L_overlay_start_1:
0x0: {  	(tag) =	ssettag $0x1  }
0x1: {  	s1 =	rddreg [dreg:$0x0]  }
0x2: {  	s0 =	rddreg [dreg:$0x1]  }
0x3: {  	s2 =	rddreg [dreg:$0x2]  }
0x4: {  	s3 =	rddreg [dreg:$0x3]  }
0x5: {  	s5 =	simm.s32 $0x0;
	s4 =	srdreg.scid;
	s14 =	stileid.u32  }
0x6: {  	s28 =	simm.s32 $0x1FA80;
	s29 =	simm.s32 $0x14300;
	s30 =	simm.s32 $0x1AA80  }
0x7: {  	s31 =	simm.s32 $0x14B00;
	[smem:$0x7FF] =	sst s5;
	s10 =	smul.u32 $0x14000, s14  }
0x8: {  	s4 =	sand.u32 $0x1, s4;
	s6 =	sadd.s32 $0x1C00, s0;
	s11 =	smul.u32 $0x500, s14  }
0x9: {  	s7 =	sadd.s32 $0x77000, s0;
	s8 =	sadd.s32 $0x96400, s0;
	s20 =	smul.u32 $0x50000, s14  }
0xa: {  	s12 =	sadd.s32 $0x3C00, s0;
	s17 =	sadd.s32 $0x6400, s0;
	s13 =	smul.u32 $0xA00, s14  }
0xb: {  	s22 =	sshll.u32 s14, $0x6;
	_ =	strace $0x80000047;
	[dreg:$0x5] =	wrdreg s12  }
0xc: {  	s9 =	smul.u32 $0x140000, s4;
	s16 =	sshll.u32 s4, $0x7;
	[dreg:$0x6] =	wrdreg s17  }
0xd: {  	s18 =	ssub.s32 $0x2, s4;
	s4 =	sshll.u32 s4, $0x4;
	s12 =	simm.s32 $0x8  }
0xe: {  	s19 =	sshrl.u32 s18, $0x1;
	s4 =	sor.u32 s14, s4;
	s21 =	sshrl.u32 s20, $0x2  }
0xf: {  	s24 =	sshrl.u32 s13, $0x2;
	s20 =	simm.s32 $0x14280;
	s14 =	simm.s32 $0x4  }
0x10: {  	s9 =	sadd.s32 s10, s9;
	s10 =	sor.u32 s16, s11;
	s23 =	sadd.s32 s21, s2  }
0x11: {  	s16 =	sor.u32 $0x1C06, s22;
	s15 =	sadd.s32 s24, s3;
	p0 =	slt.u32 s4, $0x1A  }
0x12: {  	s13 =	sshll.u32 s4, $0xB;
	s21 =	simm.s32 $0x14A80;
	s22 =	simm.s32 $0x15280  }
0x13: {  	s24 =	simm.s32 $0x15A80;
	s4 =	simm.s32 $0x2;
	s9 =	sshrl.u32 s9, $0x3  }
0x14: {  	s10 =	sshrl.u32 s10, $0x3;
	s12 =	simm.s32 @!p0 $0x7;
	s17 =	sshrl.u32 s23, $0x3  }
0x15: {  	[dreg:$0x7] =	wrdreg s16;
	s9 =	sadd.s32 s9, s0;
	s0 =	sadd.s32 s10, s0  }
0x16: {  	s10 =	ssub.s32 s18, s19;
	s19 =	sshrl.u32 s15, $0x3;
	[dreg:$0xb] =	wrdreg s17  }
0x17: {  	s23 =	simm.s32 $0x50;
	s25 =	sadd.s32 $0x7000, s9;
	[dreg:$0xc] =	wrdreg s19  }
0x18: {  	s18 =	simm.s32 $0x6;
	s0 =	sadd.s32 $0x6600, s0;
	[dreg:$0x8] =	wrdreg s25  }
0x19: {  	s15 =	simm.s32 $0x15A00;
	s26 =	smax.u32 s10, $0x1;
	[dreg:$0x9] =	wrdreg s0  }
0x1a: {  	s9 =	simm.s32 $0x3;
	s10 =	simm.s32 $0x5;
	[dreg:$0xa] =	wrdreg s26  }
0x1b: {  	v0 =	vimm.f32 $1.000000000e+00;
	s25 =	simm.s32 $0x18280;
	s26 =	simm.s32 $0x1;
	s0 =	simm.s32 $0x1D280  }
.LBB2_1:
0x1c: {  	[dreg:$0xd] =	wrdreg s5  }
0x1d: {  	s11 =	rddreg [dreg:$0x5]  }
0x1e: {  	[spmem:s17], [sflag:s16] =	dma.local [hbm:s11], $0x2800  }
0x1f: {  	_ =	swait.ge [sflag:s18], $0x2800  }
0x20: {  	[sflag:s18] =	ssyncset.done $0x0  }
0x21: {  	s17 =	rddreg [dreg:$0x6];
	[sflag:s18] =	ssyncadd.s32 $0xFFFFD800  }
0x22: {  	[spmem:s19], [sflag:s16] =	dma.local [hbm:s17], $0x50  }
0x23: {  	_ =	swait.ge [sflag:s18], $0x50  }
0x24: {  	[sflag:s18] =	ssyncset.done $0x0  }
0x25: {  	[sflag:s18] =	ssyncadd.s32 $0xFFFFFFB0  }
0x26: {  	[tilespmem:$0x1FA80] =	vst v0  }
0x27: {  	[tilespmem:$0x1FA90] =	vst v0  }
0x28: {  	[tilespmem:$0x1FAA0] =	vst v0  }
0x29: {  	[tilespmem:$0x1FAB0] =	vst v0  }
0x2a: {  	s16 =	simm.s32 $0x0;
	[tilespmem:$0x1FAC0] =	vst v0  }
.LBB2_2:
0x2b: {  	s17 =	sshll.u32 s16, $0x10  }
0x2c: {  	s17 =	sor.u32 s13, s17  }
0x2d: {  	s17 =	sshrl.u32 s17, $0x3  }
0x2e: {  	s11 =	simm.s32 $0x0;
	s19 =	sadd.s32 s7, s17  }
0x2f: {  	[tilespmem:s20], [sflag:$0x6] =	stream.linear.gather [hbm4b:s19+s11], $0x800, $0x38;
	[tilespmem:$0x1FB00] =	vst v63  }
0x30: {  	_ =	swait.ge [sflag:s18], $0x800  }
0x31: {  	[sflag:s18] =	ssyncset.done $0x0  }
0x32: {  	s17 =	sadd.s32 s8, s17;
	[sflag:s18] =	ssyncadd.s32 $0xFFFFF800  }
0x33: {  	[tilespmem:s21], [sflag:$0x6] =	stream.linear.gather [hbm4b:s17+s11], $0x800, $0x38;
	[tilespmem:$0x1FB00] =	vst v63  }
0x34: {  	_ =	swait.ge [sflag:s18], $0x800  }
0x35: {  	[sflag:s18] =	ssyncset.done $0x0  }
0x36: {  	s5 =	sadd.s32 $0xFA00, s19;
	[sflag:s18] =	ssyncadd.s32 $0xFFFFF800  }
0x37: {  	[tilespmem:s22], [sflag:$0x6] =	stream.linear.gather [hbm4b:s5+s11], $0x800, $0x38;
	[tilespmem:$0x1FB00] =	vst v63  }
0x38: {  	_ =	swait.ge [sflag:s18], $0x800  }
0x39: {  	[sflag:s18] =	ssyncset.done $0x0  }
0x3a: {  	[sflag:s18] =	ssyncadd.s32 $0xFFFFF800  }
0x3b: {  	[tilespmem:s24], [sflag:$0x1] =	stream.indirect.gather [hbm4b:s1+s23], $0x80, s20, s23, $0xb8;
	[tilespmem:$0x1FB00] =	vst v63  }
0x3c: {  	_ = 	snop  }
0x3d: {  	[tilespmem:s25], [sflag:$0x1] =	stream.indirect.gather [hbm4b:s6+s23], $0x80, s21, s23, $0xb8;
	[tilespmem:$0x1FB00] =	vst v63  }
0x3e: {  	_ =	swait.ge [sflag:s26], $0x2800  }
0x3f: {  	[sflag:s26] =	ssyncset.done $0x0  }
0x40: {  	[sflag:s26] =	ssyncadd.s32 $0xFFFFD800  }
0x41: {  	_ =	swait.ge [sflag:s26], $0x2800  }
0x42: {  	[sflag:s26] =	ssyncset.done $0x0  }
0x43: {  	[sflag:s26] =	ssyncadd.s32 $0xFFFFD800  }
0x44: {  	[spmem:s2] =	stream.indirect.scatter.add.f32 [tilespmem:s24], [sflag:$0x3], $0x80, s22, s23, $0xb8;
	[tilespmem:$0x1FB00] =	vst v63  }
0x45: {  	_ = 	snop  }
0x46: {  	[spmem:s2] =	stream.indirect.scatter.add.f32 [tilespmem:s25], [sflag:$0x3], $0x80, s22, s23, $0xb8;
	[tilespmem:$0x1FB00] =	vst v63  }
0x47: {  	_ = 	snop  }
0x48: {  	[spmem:s3] =	stream.indirect.scatter.add.f32 [tilespmem:s28], [sflag:$0x5], $0x1, s22, s23, $0xb8;
	[tilespmem:$0x1FB00] =	vst v63  }
0x49: {  	_ = 	snop  }
0x4a: {  	[tilespmem:s30], [sflag:$0x2] =	stream.indirect.gather [hbm4b:s1+s23], $0x80, s29, s23, $0xb8;
	[tilespmem:$0x1FB00] =	vst v63  }
0x4b: {  	_ = 	snop  }
0x4c: {  	[tilespmem:s0], [sflag:$0x2] =	stream.indirect.gather [hbm4b:s6+s23], $0x80, s31, s23, $0xb8;
	[tilespmem:$0x1FB00] =	vst v63  }
0x4d: {  	_ =	swait.ge [sflag:s4], $0x2800  }
0x4e: {  	[sflag:s4] =	ssyncset.done $0x0  }
0x4f: {  	[sflag:s4] =	ssyncadd.s32 $0xFFFFD800  }
0x50: {  	_ =	swait.ge [sflag:s4], $0x2800  }
0x51: {  	[sflag:s4] =	ssyncset.done $0x0  }
0x52: {  	s17 =	simm.s32 $0x15300;
	[sflag:s4] =	ssyncadd.s32 $0xFFFFD800  }
0x53: {  	[spmem:s2] =	stream.indirect.scatter.add.f32 [tilespmem:s30], [sflag:$0x4], $0x80, s17, s23, $0xb8;
	[tilespmem:$0x1FB00] =	vst v63  }
0x54: {  	_ = 	snop  }
0x55: {  	[spmem:s2] =	stream.indirect.scatter.add.f32 [tilespmem:s0], [sflag:$0x4], $0x80, s17, s23, $0xb8;
	[tilespmem:$0x1FB00] =	vst v63  }
0x56: {  	_ = 	snop  }
0x57: {  	[spmem:s3] =	stream.indirect.scatter.add.f32 [tilespmem:s28], [sflag:$0x5], $0x1, s17, s23, $0xb8;
	[tilespmem:$0x1FB00] =	vst v63  }
0x58: {  	_ =	swait.ge [sflag:s9], $0x2800  }
0x59: {  	[sflag:s9] =	ssyncset.done $0x0  }
0x5a: {  	[sflag:s9] =	ssyncadd.s32 $0xFFFFD800  }
0x5b: {  	_ =	swait.ge [sflag:s9], $0x2800  }
0x5c: {  	[sflag:s9] =	ssyncset.done $0x0  }
0x5d: {  	[sflag:s9] =	ssyncadd.s32 $0xFFFFD800  }
0x5e: {  	_ =	swait.ge [sflag:s10], $0x50  }
0x5f: {  	[sflag:s10] =	ssyncset.done $0x0  }
0x60: {  	s19 =	simm.s32 $0x14380;
	[sflag:s10] =	ssyncadd.s32 $0xFFFFFFB0  }
0x61: {  	[tilespmem:s24], [sflag:$0x1] =	stream.indirect.gather [hbm4b:s1+s23], $0x80, s19, s23, $0xb8;
	[tilespmem:$0x1FB00] =	vst v63  }
0x62: {  	s5 =	simm.s32 $0x14B80  }
0x63: {  	[tilespmem:s25], [sflag:$0x1] =	stream.indirect.gather [hbm4b:s6+s23], $0x80, s5, s23, $0xb8;
	[tilespmem:$0x1FB00] =	vst v63  }
0x64: {  	_ =	swait.ge [sflag:s26], $0x2800  }
0x65: {  	[sflag:s26] =	ssyncset.done $0x0  }
0x66: {  	[sflag:s26] =	ssyncadd.s32 $0xFFFFD800  }
0x67: {  	_ =	swait.ge [sflag:s26], $0x2800  }
0x68: {  	[sflag:s26] =	ssyncset.done $0x0  }
0x69: {  	s17 =	simm.s32 $0x15380;
	[sflag:s26] =	ssyncadd.s32 $0xFFFFD800  }
0x6a: {  	[spmem:s2] =	stream.indirect.scatter.add.f32 [tilespmem:s24], [sflag:$0x3], $0x80, s17, s23, $0xb8;
	[tilespmem:$0x1FB00] =	vst v63  }
0x6b: {  	_ = 	snop  }
0x6c: {  	[spmem:s2] =	stream.indirect.scatter.add.f32 [tilespmem:s25], [sflag:$0x3], $0x80, s17, s23, $0xb8;
	[tilespmem:$0x1FB00] =	vst v63  }
0x6d: {  	_ = 	snop  }
0x6e: {  	[spmem:s3] =	stream.indirect.scatter.add.f32 [tilespmem:s28], [sflag:$0x5], $0x1, s17, s23, $0xb8;
	[tilespmem:$0x1FB00] =	vst v63  }
0x6f: {  	_ =	swait.ge [sflag:s14], $0x2800  }
0x70: {  	[sflag:s14] =	ssyncset.done $0x0  }
0x71: {  	[sflag:s14] =	ssyncadd.s32 $0xFFFFD800  }
0x72: {  	_ =	swait.ge [sflag:s14], $0x2800  }
0x73: {  	[sflag:s14] =	ssyncset.done $0x0  }
0x74: {  	[sflag:s14] =	ssyncadd.s32 $0xFFFFD800  }
0x75: {  	_ =	swait.ge [sflag:s10], $0x50  }
0x76: {  	[sflag:s10] =	ssyncset.done $0x0  }
0x77: {  	s19 =	simm.s32 $0x14400;
	[sflag:s10] =	ssyncadd.s32 $0xFFFFFFB0  }
0x78: {  	[tilespmem:s30], [sflag:$0x2] =	stream.indirect.gather [hbm4b:s1+s23], $0x80, s19, s23, $0xb8;
	[tilespmem:$0x1FB00] =	vst v63  }
0x79: {  	s17 =	simm.s32 $0x400;
	s19 =	simm.s32 $0x14C00  }
.LBB2_3:
0x7a: {  	[tilespmem:s0], [sflag:$0x2] =	stream.indirect.gather [hbm4b:s6+s23], $0x80, s19, s23, $0xb8;
	[tilespmem:$0x1FB00] =	vst v63  }
0x7b: {  	s11 =	smov.u32 s17  }
0x7c: {  	p0 =	sne.s32 s17, $0x1800;
	s17 =	sadd.s32 $0x400, s17;
	_ =	swait.ge [sflag:s4], $0x2800  }
0x7d: {  	[sflag:s4] =	ssyncset.done $0x0  }
0x7e: {  	[sflag:s4] =	ssyncadd.s32 $0xFFFFD800  }
0x7f: {  	_ =	swait.ge [sflag:s4], $0x2800  }
0x80: {  	s19 =	sshra.s32 s11, $0x2;
	[sflag:s4] =	ssyncset.done $0x0  }
0x81: {  	s11 =	sadd.s32 $0x15300, s19;
	[sflag:s4] =	ssyncadd.s32 $0xFFFFD800  }
0x82: {  	[spmem:s2] =	stream.indirect.scatter.add.f32 [tilespmem:s30], [sflag:$0x4], $0x80, s11, s23, $0xb8;
	[tilespmem:$0x1FB00] =	vst v63  }
0x83: {  	_ = 	snop  }
0x84: {  	[spmem:s2] =	stream.indirect.scatter.add.f32 [tilespmem:s0], [sflag:$0x4], $0x80, s11, s23, $0xb8;
	[tilespmem:$0x1FB00] =	vst v63  }
0x85: {  	_ = 	snop  }
0x86: {  	[spmem:s3] =	stream.indirect.scatter.add.f32 [tilespmem:s28], [sflag:$0x5], $0x1, s11, s23, $0xb8;
	[tilespmem:$0x1FB00] =	vst v63  }
0x87: {  	_ =	swait.ge [sflag:s9], $0x2800  }
0x88: {  	[sflag:s9] =	ssyncset.done $0x0  }
0x89: {  	[sflag:s9] =	ssyncadd.s32 $0xFFFFD800  }
0x8a: {  	_ =	swait.ge [sflag:s9], $0x2800  }
0x8b: {  	[sflag:s9] =	ssyncset.done $0x0  }
0x8c: {  	[sflag:s9] =	ssyncadd.s32 $0xFFFFD800  }
0x8d: {  	_ =	swait.ge [sflag:s10], $0x50  }
0x8e: {  	[sflag:s10] =	ssyncset.done $0x0  }
0x8f: {  	s11 =	sadd.s32 $0x14380, s19;
	[sflag:s10] =	ssyncadd.s32 $0xFFFFFFB0  }
0x90: {  	[tilespmem:s24], [sflag:$0x1] =	stream.indirect.gather [hbm4b:s1+s23], $0x80, s11, s23, $0xb8;
	[tilespmem:$0x1FB00] =	vst v63  }
0x91: {  	s11 =	sadd.s32 $0x14B80, s19  }
0x92: {  	[tilespmem:s25], [sflag:$0x1] =	stream.indirect.gather [hbm4b:s6+s23], $0x80, s11, s23, $0xb8;
	[tilespmem:$0x1FB00] =	vst v63  }
0x93: {  	_ =	swait.ge [sflag:s26], $0x2800  }
0x94: {  	[sflag:s26] =	ssyncset.done $0x0  }
0x95: {  	[sflag:s26] =	ssyncadd.s32 $0xFFFFD800  }
0x96: {  	_ =	swait.ge [sflag:s26], $0x2800  }
0x97: {  	[sflag:s26] =	ssyncset.done $0x0  }
0x98: {  	s11 =	sadd.s32 $0x15380, s19;
	[sflag:s26] =	ssyncadd.s32 $0xFFFFD800  }
0x99: {  	[spmem:s2] =	stream.indirect.scatter.add.f32 [tilespmem:s24], [sflag:$0x3], $0x80, s11, s23, $0xb8;
	[tilespmem:$0x1FB00] =	vst v63  }
0x9a: {  	_ = 	snop  }
0x9b: {  	[spmem:s2] =	stream.indirect.scatter.add.f32 [tilespmem:s25], [sflag:$0x3], $0x80, s11, s23, $0xb8;
	[tilespmem:$0x1FB00] =	vst v63  }
0x9c: {  	_ = 	snop  }
0x9d: {  	[spmem:s3] =	stream.indirect.scatter.add.f32 [tilespmem:s28], [sflag:$0x5], $0x1, s11, s23, $0xb8;
	[tilespmem:$0x1FB00] =	vst v63  }
0x9e: {  	_ =	swait.ge [sflag:s14], $0x2800  }
0x9f: {  	[sflag:s14] =	ssyncset.done $0x0  }
0xa0: {  	[sflag:s14] =	ssyncadd.s32 $0xFFFFD800  }
0xa1: {  	_ =	swait.ge [sflag:s14], $0x2800  }
0xa2: {  	[sflag:s14] =	ssyncset.done $0x0  }
0xa3: {  	[sflag:s14] =	ssyncadd.s32 $0xFFFFD800  }
.Ltmp0:
0xa4: {  	_ =	swait.ge [sflag:s10], $0x50;
	(pc) =	sbr.rel @p0 .LBB2_3-.Ltmp0, $4  }
0xa5: {  	[sflag:s10] =	ssyncset.done $0x0  }
0xa6: {  	s11 =	sadd.s32 $0x14400, s19;
	[sflag:s10] =	ssyncadd.s32 $0xFFFFFFB0  }
0xa7: {  	[tilespmem:s30], [sflag:$0x2] =	stream.indirect.gather [hbm4b:s1+s23], $0x80, s11, s23, $0xb8;
	[tilespmem:$0x1FB00] =	vst v63  }
0xa8: {  	s19 =	sadd.s32 $0x14C00, s19  }
0xa9: {  	[tilespmem:s0], [sflag:$0x2] =	stream.indirect.gather [hbm4b:s6+s23], $0x80, s19, s23, $0xb8;
	[tilespmem:$0x1FB00] =	vst v63  }
0xaa: {  	_ =	swait.ge [sflag:s4], $0x2800  }
0xab: {  	[sflag:s4] =	ssyncset.done $0x0  }
0xac: {  	[sflag:s4] =	ssyncadd.s32 $0xFFFFD800  }
0xad: {  	_ =	swait.ge [sflag:s4], $0x2800  }
0xae: {  	[sflag:s4] =	ssyncset.done $0x0  }
0xaf: {  	[sflag:s4] =	ssyncadd.s32 $0xFFFFD800  }
0xb0: {  	[spmem:s2] =	stream.indirect.scatter.add.f32 [tilespmem:s30], [sflag:$0x4], $0x80, s15, s23, $0xb8;
	[tilespmem:$0x1FB00] =	vst v63  }
0xb1: {  	_ = 	snop  }
0xb2: {  	[spmem:s2] =	stream.indirect.scatter.add.f32 [tilespmem:s0], [sflag:$0x4], $0x80, s15, s23, $0xb8;
	[tilespmem:$0x1FB00] =	vst v63  }
0xb3: {  	_ = 	snop  }
0xb4: {  	[spmem:s3] =	stream.indirect.scatter.add.f32 [tilespmem:s28], [sflag:$0x5], $0x1, s15, s23, $0xb8;
	[tilespmem:$0x1FB00] =	vst v63  }
0xb5: {  	_ =	swait.ge [sflag:s9], $0x2800  }
0xb6: {  	[sflag:s9] =	ssyncset.done $0x0  }
0xb7: {  	[sflag:s9] =	ssyncadd.s32 $0xFFFFD800  }
0xb8: {  	_ =	swait.ge [sflag:s9], $0x2800  }
0xb9: {  	[sflag:s9] =	ssyncset.done $0x0  }
0xba: {  	[sflag:s9] =	ssyncadd.s32 $0xFFFFD800  }
0xbb: {  	_ =	swait.ge [sflag:s10], $0x50  }
0xbc: {  	[sflag:s10] =	ssyncset.done $0x0  }
0xbd: {  	[sflag:s10] =	ssyncadd.s32 $0xFFFFFFB0  }
0xbe: {  	_ =	swait.ge [sflag:s14], $0x2800  }
0xbf: {  	[sflag:s14] =	ssyncset.done $0x0  }
0xc0: {  	s16 =	sadd.s32 $0x1, s16;
	[sflag:s14] =	ssyncadd.s32 $0xFFFFD800  }
0xc1: {  	p0 =	sne.s32 s16, s12;
	_ =	swait.ge [sflag:s14], $0x2800  }
.Ltmp1:
0xc2: {  	[sflag:s14] =	ssyncset.done $0x0;
	(pc) =	sbr.rel @p0 .LBB2_2-.Ltmp1, $4  }
0xc3: {  	[sflag:s14] =	ssyncadd.s32 $0xFFFFD800  }
0xc4: {  	_ =	swait.ge [sflag:s10], $0x50  }
0xc5: {  	[sflag:s10] =	ssyncset.done $0x0  }
0xc6: {  	[sflag:s10] =	ssyncadd.s32 $0xFFFFFFB0  }
0xc7: {  	[bflag:$0x0] =	sbarrier.arrive $0xFFFF  }
0xc8: {  	s16 =	rddreg [dreg:$0x7]  }
0xc9: {  	s11 =	rddreg [dreg:$0x8]  }
0xca: {  	s17 =	rddreg [dreg:$0xb]  }
0xcb: {  	[hbm:s11], [sflag:s16] =	dma.local [spmem:s17], $0x2800  }
0xcc: {  	_ =	swait.ge [sflag:s18], $0x2800  }
0xcd: {  	s5 =	simm.s32 $0x20;
	[sflag:s18] =	ssyncset.done $0x0;
	s11 =	rddreg [dreg:$0x9]  }
0xce: {  	s29 =	simm.s32 $0x10;
	s19 =	rddreg [dreg:$0xc];
	[sflag:s18] =	ssyncadd.s32 $0xFFFFD800  }
0xcf: {  	[hbm:s11@s5], [sflag:s16] =	dma.strided [spmem:s19@s29], $0x50, s26, $0x10   }
0xd0: {  	_ =	swait.ge [sflag:s18], $0x50  }
0xd1: {  	s11 =	rddreg [dreg:$0xd]  }
0xd2: {  	s5 =	sadd.s32 $0x1, s11;
	s11 =	rddreg [dreg:$0xa]  }
0xd3: {  	p0 =	sne.s32 s5, s11  }
.Ltmp2:
0xd4: {  	_ = 	snop;
	(pc) =	sbr.rel @p0 .LBB2_1-.Ltmp2, $3  }
0xd5: {  	_ =	sdelay $0x1  }
0xd6: {  	[sflag:s18] =	ssyncset.done $0x0  }
0xd7: {  	s29 =	simm.s32 $0x14300;
	[sflag:s18] =	ssyncadd.s32 $0xFFFFFFB0  }
0xd8: {  	_ =	sfence.sel $0x180000  }
0xd9: {  	[bflag:$0x0] =	sbarrier.arrive $0xFFFF  }
0xda: {  	_ =	strace $0x90000047  }
0xdb: {  	s0 =	stileid.u32;
	[bflag:$0x2] =	sbarrier.arrive $0xFFFF  }
0xdc: {  	p0 =	sne.s32 s0, $0x0;
	s0 =	rddreg [dreg:$0x4]  }
0xdd: {  	s0 =	sadd.s32 @!p0 $0x100000, s0  }
0xde: {  	[sflag:s0] =	ssyncadd.tile.s32 @!p0 $0x1;
	_ =	shalt  }
.Lfunc_end2:
_tile_overlayer_lowered:
.L_overlay_start_2:
0xdf: {  	(tag) =	ssettag $0x2  }
0xe0: {  	s0 =	rddreg [dreg:$0x0];
	s2 =	stileid.u32  }
0xe1: {  	s1 =	rddreg [dreg:$0x1];
	p0 =	sne.s32 s2, $0x0  }
0xe2: {  	s3 =	rddreg [dreg:$0x2];
	[bflag:$0x3] =	sbarrier.arrive $0xFFFF;
	s2 =	simm.s32 @!p0 $0x1C06  }
0xe3: {  	[timem:s3], [sflag:s2] =	dma.local @!p0 [hbm:s0], s1  }
0xe4: {  	s0 =	simm.s32 @!p0 $0x6  }
0xe5: {  	_ =	swait.ge @!p0 [sflag:s0], s1  }
0xe6: {  	s1 =	ssub.s32 @!p0 $0x0, s1;
	[sflag:s0] =	ssyncset.done @!p0 $0x0  }
0xe7: {  	[sflag:s0] =	ssyncadd.s32 @!p0 s1  }
0xe8: {  	[bflag:$0x3] =	sbarrier.arrive $0xFFFF  }
0xe9: {  	_ =	shalt  }

</sc_bundles>
